<compile_context>
chip_gen: v7x
topology: tpu7x:2x2x1
jax: 0.10.2.dev20260603
libtpu: 0.0.44.dev20260713+nightly
codegen_flags: <defaults>
</compile_context>

<pallas_src>
import functools

import jax
import jax.numpy as jnp
from jax import lax
from jax.experimental import pallas as pl
from jax.experimental.pallas import tpu as pltpu
from jax.experimental.pallas import tpu_sc as plsc

INPUT_DIM = 768
META_DIM = 16
HID = 32
NUM_ACTIONS = 8
NUM_INPUTS = 2 * INPUT_DIM + META_DIM + 1
N_AC = INPUT_DIM + META_DIM
MAIN_W = 1536
TAIL_W = NUM_INPUTS - MAIN_W
ZW = 32
B = 16384
SUB_B = 1024
N_STREAMS = 4
STEP_B = SUB_B * N_STREAMS

NW = 32
ROWS_W = B // NW
LN2 = 0.6931471805599453
SQRT2 = 1.4142135623730951


def _assemble_body(aw1, ab1, aw2, ab2, aw3, ab3, bw1, bb1, bw2, bb2, bw3, bb3,
                   acw1, acb1, acw2, acb2, acw3, acb3, bcw1, bcb1, bcw2, bcb2,
                   bcw3, bcb3, w1o, wto, b1o, w2o, b2o, w3o, b3o):
    f32 = jnp.float32
    bf16 = jnp.bfloat16
    w1o[...] = jnp.zeros((MAIN_W, 4 * HID), bf16)
    w1o[0:N_AC, 0:HID] = aw1[...].astype(bf16)
    w1o[0:INPUT_DIM, HID:2 * HID] = bw1[0:INPUT_DIM, :].astype(bf16)
    w1o[N_AC:MAIN_W, HID:2 * HID] = (
        bw1[INPUT_DIM:INPUT_DIM + MAIN_W - N_AC, :].astype(bf16))
    w1o[0:MAIN_W, 2 * HID:3 * HID] = acw1[0:MAIN_W, :].astype(bf16)
    w1o[0:MAIN_W, 3 * HID:4 * HID] = bcw1[0:MAIN_W, :].astype(bf16)
    wto[...] = jnp.zeros((24, 4 * HID), f32)
    wto[0:TAIL_W - 1, HID:2 * HID] = (
        bw1[INPUT_DIM + MAIN_W - N_AC:2 * INPUT_DIM, :].astype(f32))
    wto[0:TAIL_W, 2 * HID:3 * HID] = acw1[MAIN_W:NUM_INPUTS, :]
    wto[0:TAIL_W, 3 * HID:4 * HID] = bcw1[MAIN_W:NUM_INPUTS, :]
    w2o[...] = jnp.zeros((4 * HID, 4 * HID), f32)
    w2o[0:HID, 0:HID] = aw2[...]
    w2o[HID:2 * HID, HID:2 * HID] = bw2[...]
    w2o[2 * HID:3 * HID, 2 * HID:3 * HID] = acw2[...]
    w2o[3 * HID:4 * HID, 3 * HID:4 * HID] = bcw2[...]
    w3o[...] = jnp.zeros((4 * HID, ZW), f32)
    w3o[0:HID, 0:NUM_ACTIONS] = aw3[...]
    w3o[HID:2 * HID, NUM_ACTIONS:2 * NUM_ACTIONS] = bw3[...]
    w3o[2 * HID:3 * HID, 16:17] = acw3[...]
    w3o[3 * HID:4 * HID, 17:18] = bcw3[...]
    b1o[0:1, 0:HID] = ab1[...].reshape(1, HID)
    b1o[0:1, HID:2 * HID] = bb1[...].reshape(1, HID)
    b1o[0:1, 2 * HID:3 * HID] = acb1[...].reshape(1, HID)
    b1o[0:1, 3 * HID:4 * HID] = bcb1[...].reshape(1, HID)
    b2o[0:1, 0:HID] = ab2[...].reshape(1, HID)
    b2o[0:1, HID:2 * HID] = bb2[...].reshape(1, HID)
    b2o[0:1, 2 * HID:3 * HID] = acb2[...].reshape(1, HID)
    b2o[0:1, 3 * HID:4 * HID] = bcb2[...].reshape(1, HID)
    b3o[...] = jnp.zeros((1, ZW), f32)
    b3o[0:1, 0:NUM_ACTIONS] = ab3[...].reshape(1, NUM_ACTIONS)
    b3o[0:1, NUM_ACTIONS:2 * NUM_ACTIONS] = bb3[...].reshape(1, NUM_ACTIONS)
    b3o[0:1, 16:17] = acb3[...].reshape(1, 1)
    b3o[0:1, 17:18] = bcb3[...].reshape(1, 1)


def _dense_body(x0, x1, x2, x3, xt, w1, wt, b1, w2, b2, w3, b3, z_ref):
    for k, x_ref in enumerate((x0, x1, x2, x3)):
        tail = xt[pl.ds(k * SUB_B, SUB_B), :]
        acc = jnp.dot(x_ref[0], w1[0:128, :],
                      preferred_element_type=jnp.float32)
        for j in range(1, MAIN_W // 128):
            acc += jnp.dot(x_ref[j], w1[pl.ds(j * 128, 128), :],
                           preferred_element_type=jnp.float32)
        acc += jnp.dot(tail, wt[0:TAIL_W, :],
                       preferred_element_type=jnp.float32)
        h1 = jnp.tanh(acc + b1[...])
        h2 = jnp.tanh(
            jnp.dot(h1, w2[...], preferred_element_type=jnp.float32) + b2[...])
        z = jnp.dot(h2, w3[...], preferred_element_type=jnp.float32) + b3[...]
        rows = pl.ds(k * SUB_B, SUB_B)
        z_ref[rows, 0:ZW] = z
        z_ref[rows, 18:19] = tail[:, TAIL_W - 1:TAIL_W]


def _ln(s):
    i32 = jnp.int32
    f32 = jnp.float32
    bits = lax.bitcast_convert_type(s, i32)
    k = (bits >> 23) - 127
    man = lax.bitcast_convert_type(
        (bits & jnp.int32(0x007FFFFF)) | jnp.int32(0x3F800000), f32)
    adj = man > SQRT2
    man = jnp.where(adj, man * 0.5, man)
    kf = k.astype(f32) + jnp.where(adj, 1.0, 0.0).astype(f32)
    t = (man - 1.0) / (man + 1.0)
    t2 = t * t
    series = t * (2.0 + t2 * (2.0 / 3.0 + t2 * (2.0 / 5.0 + t2 * (2.0 / 7.0))))
    return kf * LN2 + series


def _combine_body(z_hbm, a_hbm, out_hbm, z_v, a_v, out_v):
    wid = lax.axis_index("s") * 2 + lax.axis_index("c")
    base = wid * ROWS_W
    pltpu.sync_copy(z_hbm.at[pl.ds(base, ROWS_W)], z_v)
    pltpu.sync_copy(a_hbm.at[pl.ds(base, ROWS_W)], a_v)

    lane = lax.iota(jnp.int32, 16)

    def group(g, _):
        rows = g * 16 + lane
        mind = plsc.load_gather(z_v, [rows, jnp.full((16,), 18, jnp.int32)])
        is_bob = (mind > 1.5).astype(jnp.int32)
        col0 = is_bob * NUM_ACTIONS
        l0 = plsc.load_gather(z_v, [rows, col0])
        m = l0
        for j in range(1, NUM_ACTIONS):
            lj = plsc.load_gather(z_v, [rows, col0 + j])
            m = jnp.maximum(m, lj)
        s = jnp.zeros((16,), jnp.float32)
        for j in range(NUM_ACTIONS):
            lj = plsc.load_gather(z_v, [rows, col0 + j])
            s = s + jnp.exp(lj - m)
        lse = m + _ln(s)
        a_vec = a_v[pl.ds(g * 16, 16)]
        sel = plsc.load_gather(z_v, [rows, col0 + a_vec])
        logp = sel - lse
        v = plsc.load_gather(z_v, [rows, 16 + is_bob])
        plsc.store_scatter(out_v, [rows * 2], logp)
        plsc.store_scatter(out_v, [rows * 2 + 1], v)
        return _

    lax.fori_loop(0, ROWS_W // 16, group, None)
    pltpu.sync_copy(out_v, out_hbm.at[pl.ds(base * 2, ROWS_W * 2)])


def _make_combine():
    return functools.partial(
        pl.kernel,
        out_type=jax.ShapeDtypeStruct((B * 2,), jnp.float32),
        mesh=plsc.VectorSubcoreMesh(core_axis_name="c", subcore_axis_name="s"),
        scratch_types=[
            pltpu.VMEM((ROWS_W, 128), jnp.float32),
            pltpu.VMEM((ROWS_W,), jnp.int32),
            pltpu.VMEM((ROWS_W * 2,), jnp.float32),
        ],
        compiler_params=pltpu.CompilerParams(needs_layout_passes=False),
    )(_combine_body)


def kernel(x, a, aw1, ab1, aw2, ab2, aw3, ab3, bw1, bb1, bw2, bb2, bw3, bb3,
           acw1, acb1, acw2, acb2, acw3, acb3, bcw1, bcb1, bcw2, bcb2, bcw3,
           bcb3):
    f32 = jnp.float32
    full = lambda s: pl.BlockSpec(s, lambda: (0,) * len(s))
    w1, wt, b1, w2, b2, w3, b3 = pl.pallas_call(
        _assemble_body,
        in_specs=[full(t.shape) for t in (
            aw1, ab1, aw2, ab2, aw3, ab3, bw1, bb1, bw2, bb2, bw3, bb3,
            acw1, acb1, acw2, acb2, acw3, acb3, bcw1, bcb1, bcw2, bcb2,
            bcw3, bcb3)],
        out_specs=[full((MAIN_W, 4 * HID)), full((24, 4 * HID)),
                   full((1, 4 * HID)),
                   full((4 * HID, 4 * HID)), full((1, 4 * HID)),
                   full((4 * HID, ZW)), full((1, ZW))],
        out_shape=[jax.ShapeDtypeStruct((MAIN_W, 4 * HID), jnp.bfloat16),
                   jax.ShapeDtypeStruct((24, 4 * HID), f32),
                   jax.ShapeDtypeStruct((1, 4 * HID), f32),
                   jax.ShapeDtypeStruct((4 * HID, 4 * HID), f32),
                   jax.ShapeDtypeStruct((1, 4 * HID), f32),
                   jax.ShapeDtypeStruct((4 * HID, ZW), f32),
                   jax.ShapeDtypeStruct((1, ZW), f32)],
    )(aw1, ab1, aw2, ab2, aw3, ab3, bw1, bb1, bw2, bb2, bw3, bb3,
      acw1, acb1, acw2, acb2, acw3, acb3, bcw1, bcb1, bcw2, bcb2, bcw3, bcb3)

    xa = jnp.swapaxes(
        lax.slice(x, (0, 0), (B, MAIN_W)).astype(jnp.bfloat16)
        .reshape(B, MAIN_W // 128, 128), 0, 1)
    xt = lax.slice(x, (0, MAIN_W), (B, NUM_INPUTS))
    a1 = a.astype(jnp.int32)

    grid = (B // STEP_B,)
    xs = lambda k: pl.BlockSpec((MAIN_W // 128, SUB_B, 128),
                                lambda i, kk=k: (0, N_STREAMS * i + kk, 0))
    z = pl.pallas_call(
        _dense_body,
        grid=grid,
        in_specs=[
            xs(0), xs(1), xs(2), xs(3),
            pl.BlockSpec((STEP_B, TAIL_W), lambda i: (i, 0)),
            pl.BlockSpec((MAIN_W, 4 * HID), lambda i: (0, 0)),
            pl.BlockSpec((24, 4 * HID), lambda i: (0, 0)),
            pl.BlockSpec((1, 4 * HID), lambda i: (0, 0)),
            pl.BlockSpec((4 * HID, 4 * HID), lambda i: (0, 0)),
            pl.BlockSpec((1, 4 * HID), lambda i: (0, 0)),
            pl.BlockSpec((4 * HID, ZW), lambda i: (0, 0)),
            pl.BlockSpec((1, ZW), lambda i: (0, 0)),
        ],
        out_specs=pl.BlockSpec((STEP_B, 128), lambda i: (i, 0)),
        out_shape=jax.ShapeDtypeStruct((B, 128), f32),
    )(xa, xa, xa, xa, xt, w1, wt, b1, w2, b2, w3, b3)

    return _make_combine()(z, a1).reshape(B, 2)

# --- scband reference (transcript-rebuilt; emitter-appended) ---
"""Pipeline reference for scband-sp-57088705298583 (READ-ONLY COPY).

The authoritative reference and input builder live on the scoring server;
editing this copy changes nothing except your own understanding.
"""

import jax, jax.numpy as jnp
import numpy as np

INPUT_DIM = 768
META_DIM = 16
HID = 32
NUM_ACTIONS = 8
NUM_INPUTS = 2 * INPUT_DIM + META_DIM + 1
B = 16384


def _lin_init(k, fan_in, fan_out):
    return jax.random.normal(k, (fan_in, fan_out), jnp.float32) * (1.0 / np.sqrt(fan_in))


def setup_inputs(seed: int = 0) -> dict:
    key = jax.random.key(seed)
    ks = jax.random.split(key, 16)
    x_feat = jax.random.normal(ks[0], (B, NUM_INPUTS - 1), jnp.float32)
    mind = jax.random.randint(ks[1], (B,), 0, 2) + 1  # values in {1,2}: 1 -> Alice, 2 -> Bob
    x = jnp.concatenate([x_feat, mind.astype(jnp.float32)[:, None]], axis=1)
    a = jax.random.randint(ks[2], (B,), 0, NUM_ACTIONS)
    d = {"x": x, "a": a}
    # Alice actor (InitCategoricalActor): (input_dim+meta_dim) -> hid -> hid -> num_actions, tanh
    d["aw1"] = _lin_init(ks[3], INPUT_DIM + META_DIM, HID); d["ab1"] = jnp.zeros((HID,), jnp.float32)
    d["aw2"] = _lin_init(ks[4], HID, HID); d["ab2"] = jnp.zeros((HID,), jnp.float32)
    d["aw3"] = _lin_init(ks[5], HID, NUM_ACTIONS); d["ab3"] = jnp.zeros((NUM_ACTIONS,), jnp.float32)
    # Bob actor (GoalCategoricalActor): (2*input_dim) -> hid -> hid -> num_actions, tanh
    d["bw1"] = _lin_init(ks[6], 2 * INPUT_DIM, HID); d["bb1"] = jnp.zeros((HID,), jnp.float32)
    d["bw2"] = _lin_init(ks[7], HID, HID); d["bb2"] = jnp.zeros((HID,), jnp.float32)
    d["bw3"] = _lin_init(ks[8], HID, NUM_ACTIONS); d["bb3"] = jnp.zeros((NUM_ACTIONS,), jnp.float32)
    # Alice critic (MLPCritic): num_inputs -> hid -> hid -> 1, tanh
    d["acw1"] = _lin_init(ks[9], NUM_INPUTS, HID); d["acb1"] = jnp.zeros((HID,), jnp.float32)
    d["acw2"] = _lin_init(ks[10], HID, HID); d["acb2"] = jnp.zeros((HID,), jnp.float32)
    d["acw3"] = _lin_init(ks[11], HID, 1); d["acb3"] = jnp.zeros((1,), jnp.float32)
    # Bob critic
    d["bcw1"] = _lin_init(ks[12], NUM_INPUTS, HID); d["bcb1"] = jnp.zeros((HID,), jnp.float32)
    d["bcw2"] = _lin_init(ks[13], HID, HID); d["bcb2"] = jnp.zeros((HID,), jnp.float32)
    d["bcw3"] = _lin_init(ks[14], HID, 1); d["bcb3"] = jnp.zeros((1,), jnp.float32)
    return d


def _mlp(h, w1, b1, w2, b2, w3, b3):
    h = jnp.tanh(h @ w1 + b1)
    h = jnp.tanh(h @ w2 + b2)
    return h @ w3 + b3


def reference(x, a, aw1, ab1, aw2, ab2, aw3, ab3, bw1, bb1, bw2, bb2, bw3, bb3,
              acw1, acb1, acw2, acb2, acw3, acb3, bcw1, bcb1, bcw2, bcb2, bcw3, bcb3):
    # SP.logp + SP.v fused: route each row to Alice (mind==1) or Bob (mind==2).
    # Equivalent to the torch masked-gather/masked_scatter_ routing: since rows are
    # independent, compute both experts on all rows then select per-row (same math).
    mind = x[:, -1]
    amask = mind == 1.0
    obs_current = x[:, :INPUT_DIM]
    n = INPUT_DIM + META_DIM
    obs_target = x[:, n:n + INPUT_DIM]
    a_logits = _mlp(x[:, :n], aw1, ab1, aw2, ab2, aw3, ab3)
    b_logits = _mlp(jnp.concatenate([obs_current, obs_target], axis=1), bw1, bb1, bw2, bb2, bw3, bb3)
    a_lsm = jax.nn.log_softmax(a_logits, axis=-1)
    b_lsm = jax.nn.log_softmax(b_logits, axis=-1)
    alogp = jnp.take_along_axis(a_lsm, a[:, None], axis=1)[:, 0]
    blogp = jnp.take_along_axis(b_lsm, a[:, None], axis=1)[:, 0]
    av = _mlp(x, acw1, acb1, acw2, acb2, acw3, acb3)[:, 0]
    bv = _mlp(x, bcw1, bcb1, bcw2, bcb2, bcw3, bcb3)[:, 0]
    logp = jnp.where(amask, alogp, blogp)
    v = jnp.where(amask, av, bv)
    return jnp.stack([logp, v], axis=1)


if False:  # reference __main__ guard neutralized (emitter)
    out = reference(**setup_inputs())
    print(out.shape, out.dtype)

if __name__ == "__main__":
    import jax
    _d = setup_inputs()
    print(jax.jit(kernel)(*tuple(_d.values())))

</pallas_src>

<mosaic_0001>
#map = affine_map<(d0, d1) -> (0, 0)>
#map1 = affine_map<(d0, d1) -> (0)>
module attributes {stable_mosaic.version = 14 : i64} {
  func.func @_combine_body(%arg0: i32, %arg1: i32, %arg2: memref<16384x128xf32, #tpu.memory_space<hbm>>, %arg3: memref<16384xi32, #tpu.memory_space<hbm>>, %arg4: memref<32768xf32, #tpu.memory_space<hbm>>, %arg5: memref<512x128xf32, #tpu.memory_space<vmem>>, %arg6: memref<512xi32, #tpu.memory_space<vmem>>, %arg7: memref<1024xf32, #tpu.memory_space<vmem>>) attributes {dimension_semantics = [#tpu.dimension_semantics<core_parallel>, #tpu.dimension_semantics<subcore_parallel>], iteration_bounds = array<i64: 2, 16>, scalar_prefetch = 0 : i64, scratch_operands = 3 : i64, tpu.core_type = #tpu.core_type<sc_vector_subcore>, window_params = [{transform_indices = #map}, {transform_indices = #map1}, {transform_indices = #map1}]} {
    %mul3A = arith.constant 2 : i32
    %mul3A_0 = arith.muli %arg1, %mul3A : i32
    %add3A = arith.addi %mul3A_0, %arg0 : i32
    %mul3A_1 = arith.constant 512 : i32
    %mul3A_2 = arith.muli %add3A, %mul3A_1 : i32
    "tpu.region"() ({
      %run_scoped3A = tpu.sem_alloc : memref<!tpu.dma_semaphore, #tpu.memory_space<semaphore_mem>>
      %dma_start3A = arith.constant 0 : i32
      %dma_start3A_9 = tpu.memref_slice %arg2[%mul3A_2, %dma_start3A] : memref<16384x128xf32, #tpu.memory_space<hbm>> -> memref<512x128xf32, #tpu.memory_space<hbm>>
      %dma_start3A_10 = arith.constant 0 : i32
      %dma_start3A_11 = tpu.memref_slice %arg2[%mul3A_2, %dma_start3A_10] : memref<16384x128xf32, #tpu.memory_space<hbm>> -> memref<512x128xf32, #tpu.memory_space<hbm>>
      tpu.enqueue_dma source(%dma_start3A_11 : memref<512x128xf32, #tpu.memory_space<hbm>>) target(%arg5 : memref<512x128xf32, #tpu.memory_space<vmem>>) target_semaphore(%run_scoped3A : memref<!tpu.dma_semaphore, #tpu.memory_space<semaphore_mem>>)
      %dma_wait3A = arith.constant 0 : i32
      %dma_wait3A_12 = tpu.memref_slice %arg2[%mul3A_2, %dma_wait3A] : memref<16384x128xf32, #tpu.memory_space<hbm>> -> memref<512x128xf32, #tpu.memory_space<hbm>>
      %dma_wait3A_13 = arith.constant 0 : i32
      %dma_wait3A_14 = tpu.memref_slice %arg2[%mul3A_2, %dma_wait3A_13] : memref<16384x128xf32, #tpu.memory_space<hbm>> -> memref<512x128xf32, #tpu.memory_space<hbm>>
      tpu.wait_dma2 semaphore(%run_scoped3A : memref<!tpu.dma_semaphore, #tpu.memory_space<semaphore_mem>>) src(%dma_wait3A_14 : memref<512x128xf32, #tpu.memory_space<hbm>>) dst(%arg5 : memref<512x128xf32, #tpu.memory_space<vmem>>)
      tpu.yield
    }) : () -> ()
    "tpu.region"() ({
      %run_scoped3A = tpu.sem_alloc : memref<!tpu.dma_semaphore, #tpu.memory_space<semaphore_mem>>
      %dma_start3A = tpu.memref_slice %arg3[%mul3A_2] : memref<16384xi32, #tpu.memory_space<hbm>> -> memref<512xi32, #tpu.memory_space<hbm>>
      %dma_start3A_9 = tpu.memref_slice %arg3[%mul3A_2] : memref<16384xi32, #tpu.memory_space<hbm>> -> memref<512xi32, #tpu.memory_space<hbm>>
      tpu.enqueue_dma source(%dma_start3A_9 : memref<512xi32, #tpu.memory_space<hbm>>) target(%arg6 : memref<512xi32, #tpu.memory_space<vmem>>) target_semaphore(%run_scoped3A : memref<!tpu.dma_semaphore, #tpu.memory_space<semaphore_mem>>)
      %dma_wait3A = tpu.memref_slice %arg3[%mul3A_2] : memref<16384xi32, #tpu.memory_space<hbm>> -> memref<512xi32, #tpu.memory_space<hbm>>
      %dma_wait3A_10 = tpu.memref_slice %arg3[%mul3A_2] : memref<16384xi32, #tpu.memory_space<hbm>> -> memref<512xi32, #tpu.memory_space<hbm>>
      tpu.wait_dma2 semaphore(%run_scoped3A : memref<!tpu.dma_semaphore, #tpu.memory_space<semaphore_mem>>) src(%dma_wait3A_10 : memref<512xi32, #tpu.memory_space<hbm>>) dst(%arg6 : memref<512xi32, #tpu.memory_space<vmem>>)
      tpu.yield
    }) : () -> ()
    %iota3A = tpu.iota {dimensions = array<i32: 0>} : vector<16xi32>
    %scan3A = arith.constant 0 : i32
    %scan3A_3 = arith.constant 32 : i32
    %scan3A_4 = arith.addi %scan3A, %scan3A_3 : i32
    %scan3A_5 = arith.constant 1 : i32
    scf.for %scan3A_9 = %scan3A to %scan3A_4 step %scan3A_5  : i32 {
      %mul3A_10 = arith.constant 16 : i32
      %mul3A_11 = arith.muli %scan3A_9, %mul3A_10 : i32
      %add3A_12 = vector.broadcast %mul3A_11 : i32 to vector<16xi32>
      %add3A_13 = arith.addi %add3A_12, %iota3A : vector<16xi32>
      %broadcast_in_dim3A = arith.constant 18 : i32
      %broadcast_in_dim3A_14 = vector.broadcast %broadcast_in_dim3A : i32 to vector<16xi32>
      %gather3A = tpu.vector_load_idx %arg5[%add3A_13, %broadcast_in_dim3A_14] : memref<512x128xf32, #tpu.memory_space<vmem>>[vector<16xi32>, vector<16xi32>], vector<16xf32>,
      %gt3A = arith.constant 1.500000e+00 : f32
      %gt3A_15 = vector.broadcast %gt3A : f32 to vector<16xf32>
      %gt3A_16 = arith.cmpf ogt, %gather3A, %gt3A_15 : vector<16xf32>
      %convert_element_type3A = arith.extui %gt3A_16 : vector<16xi1> to vector<16xi32>
      %mul3A_17 = arith.constant 8 : i32
      %mul3A_18 = vector.broadcast %mul3A_17 : i32 to vector<16xi32>
      %mul3A_19 = arith.muli %convert_element_type3A, %mul3A_18 : vector<16xi32>
      %gather3A_20 = tpu.vector_load_idx %arg5[%add3A_13, %mul3A_19] : memref<512x128xf32, #tpu.memory_space<vmem>>[vector<16xi32>, vector<16xi32>], vector<16xf32>,
      %add3A_21 = arith.constant 1 : i32
      %add3A_22 = vector.broadcast %add3A_21 : i32 to vector<16xi32>
      %add3A_23 = arith.addi %mul3A_19, %add3A_22 : vector<16xi32>
      %gather3A_24 = tpu.vector_load_idx %arg5[%add3A_13, %add3A_23] : memref<512x128xf32, #tpu.memory_space<vmem>>[vector<16xi32>, vector<16xi32>], vector<16xf32>,
      %max3A = arith.maximumf %gather3A_20, %gather3A_24 : vector<16xf32>
      %add3A_25 = arith.constant 2 : i32
      %add3A_26 = vector.broadcast %add3A_25 : i32 to vector<16xi32>
      %add3A_27 = arith.addi %mul3A_19, %add3A_26 : vector<16xi32>
      %gather3A_28 = tpu.vector_load_idx %arg5[%add3A_13, %add3A_27] : memref<512x128xf32, #tpu.memory_space<vmem>>[vector<16xi32>, vector<16xi32>], vector<16xf32>,
      %max3A_29 = arith.maximumf %max3A, %gather3A_28 : vector<16xf32>
      %add3A_30 = arith.constant 3 : i32
      %add3A_31 = vector.broadcast %add3A_30 : i32 to vector<16xi32>
      %add3A_32 = arith.addi %mul3A_19, %add3A_31 : vector<16xi32>
      %gather3A_33 = tpu.vector_load_idx %arg5[%add3A_13, %add3A_32] : memref<512x128xf32, #tpu.memory_space<vmem>>[vector<16xi32>, vector<16xi32>], vector<16xf32>,
      %max3A_34 = arith.maximumf %max3A_29, %gather3A_33 : vector<16xf32>
      %add3A_35 = arith.constant 4 : i32
      %add3A_36 = vector.broadcast %add3A_35 : i32 to vector<16xi32>
      %add3A_37 = arith.addi %mul3A_19, %add3A_36 : vector<16xi32>
      %gather3A_38 = tpu.vector_load_idx %arg5[%add3A_13, %add3A_37] : memref<512x128xf32, #tpu.memory_space<vmem>>[vector<16xi32>, vector<16xi32>], vector<16xf32>,
      %max3A_39 = arith.maximumf %max3A_34, %gather3A_38 : vector<16xf32>
      %add3A_40 = arith.constant 5 : i32
      %add3A_41 = vector.broadcast %add3A_40 : i32 to vector<16xi32>
      %add3A_42 = arith.addi %mul3A_19, %add3A_41 : vector<16xi32>
      %gather3A_43 = tpu.vector_load_idx %arg5[%add3A_13, %add3A_42] : memref<512x128xf32, #tpu.memory_space<vmem>>[vector<16xi32>, vector<16xi32>], vector<16xf32>,
      %max3A_44 = arith.maximumf %max3A_39, %gather3A_43 : vector<16xf32>
      %add3A_45 = arith.constant 6 : i32
      %add3A_46 = vector.broadcast %add3A_45 : i32 to vector<16xi32>
      %add3A_47 = arith.addi %mul3A_19, %add3A_46 : vector<16xi32>
      %gather3A_48 = tpu.vector_load_idx %arg5[%add3A_13, %add3A_47] : memref<512x128xf32, #tpu.memory_space<vmem>>[vector<16xi32>, vector<16xi32>], vector<16xf32>,
      %max3A_49 = arith.maximumf %max3A_44, %gather3A_48 : vector<16xf32>
      %add3A_50 = arith.constant 7 : i32
      %add3A_51 = vector.broadcast %add3A_50 : i32 to vector<16xi32>
      %add3A_52 = arith.addi %mul3A_19, %add3A_51 : vector<16xi32>
      %gather3A_53 = tpu.vector_load_idx %arg5[%add3A_13, %add3A_52] : memref<512x128xf32, #tpu.memory_space<vmem>>[vector<16xi32>, vector<16xi32>], vector<16xf32>,
      %max3A_54 = arith.maximumf %max3A_49, %gather3A_53 : vector<16xf32>
      %broadcast_in_dim3A_55 = arith.constant 0.000000e+00 : f32
      %broadcast_in_dim3A_56 = vector.broadcast %broadcast_in_dim3A_55 : f32 to vector<16xf32>
      %add3A_57 = arith.constant 0 : i32
      %add3A_58 = vector.broadcast %add3A_57 : i32 to vector<16xi32>
      %add3A_59 = arith.addi %mul3A_19, %add3A_58 : vector<16xi32>
      %gather3A_60 = tpu.vector_load_idx %arg5[%add3A_13, %add3A_59] : memref<512x128xf32, #tpu.memory_space<vmem>>[vector<16xi32>, vector<16xi32>], vector<16xf32>,
      %sub3A = arith.subf %gather3A_60, %max3A_54 : vector<16xf32>
      %exp3A = math.exp %sub3A : vector<16xf32>
      %add3A_61 = arith.addf %broadcast_in_dim3A_56, %exp3A : vector<16xf32>
      %add3A_62 = arith.constant 1 : i32
      %add3A_63 = vector.broadcast %add3A_62 : i32 to vector<16xi32>
      %add3A_64 = arith.addi %mul3A_19, %add3A_63 : vector<16xi32>
      %gather3A_65 = tpu.vector_load_idx %arg5[%add3A_13, %add3A_64] : memref<512x128xf32, #tpu.memory_space<vmem>>[vector<16xi32>, vector<16xi32>], vector<16xf32>,
      %sub3A_66 = arith.subf %gather3A_65, %max3A_54 : vector<16xf32>
      %exp3A_67 = math.exp %sub3A_66 : vector<16xf32>
      %add3A_68 = arith.addf %add3A_61, %exp3A_67 : vector<16xf32>
      %add3A_69 = arith.constant 2 : i32
      %add3A_70 = vector.broadcast %add3A_69 : i32 to vector<16xi32>
      %add3A_71 = arith.addi %mul3A_19, %add3A_70 : vector<16xi32>
      %gather3A_72 = tpu.vector_load_idx %arg5[%add3A_13, %add3A_71] : memref<512x128xf32, #tpu.memory_space<vmem>>[vector<16xi32>, vector<16xi32>], vector<16xf32>,
      %sub3A_73 = arith.subf %gather3A_72, %max3A_54 : vector<16xf32>
      %exp3A_74 = math.exp %sub3A_73 : vector<16xf32>
      %add3A_75 = arith.addf %add3A_68, %exp3A_74 : vector<16xf32>
      %add3A_76 = arith.constant 3 : i32
      %add3A_77 = vector.broadcast %add3A_76 : i32 to vector<16xi32>
      %add3A_78 = arith.addi %mul3A_19, %add3A_77 : vector<16xi32>
      %gather3A_79 = tpu.vector_load_idx %arg5[%add3A_13, %add3A_78] : memref<512x128xf32, #tpu.memory_space<vmem>>[vector<16xi32>, vector<16xi32>], vector<16xf32>,
      %sub3A_80 = arith.subf %gather3A_79, %max3A_54 : vector<16xf32>
      %exp3A_81 = math.exp %sub3A_80 : vector<16xf32>
      %add3A_82 = arith.addf %add3A_75, %exp3A_81 : vector<16xf32>
      %add3A_83 = arith.constant 4 : i32
      %add3A_84 = vector.broadcast %add3A_83 : i32 to vector<16xi32>
      %add3A_85 = arith.addi %mul3A_19, %add3A_84 : vector<16xi32>
      %gather3A_86 = tpu.vector_load_idx %arg5[%add3A_13, %add3A_85] : memref<512x128xf32, #tpu.memory_space<vmem>>[vector<16xi32>, vector<16xi32>], vector<16xf32>,
      %sub3A_87 = arith.subf %gather3A_86, %max3A_54 : vector<16xf32>
      %exp3A_88 = math.exp %sub3A_87 : vector<16xf32>
      %add3A_89 = arith.addf %add3A_82, %exp3A_88 : vector<16xf32>
      %add3A_90 = arith.constant 5 : i32
      %add3A_91 = vector.broadcast %add3A_90 : i32 to vector<16xi32>
      %add3A_92 = arith.addi %mul3A_19, %add3A_91 : vector<16xi32>
      %gather3A_93 = tpu.vector_load_idx %arg5[%add3A_13, %add3A_92] : memref<512x128xf32, #tpu.memory_space<vmem>>[vector<16xi32>, vector<16xi32>], vector<16xf32>,
      %sub3A_94 = arith.subf %gather3A_93, %max3A_54 : vector<16xf32>
      %exp3A_95 = math.exp %sub3A_94 : vector<16xf32>
      %add3A_96 = arith.addf %add3A_89, %exp3A_95 : vector<16xf32>
      %add3A_97 = arith.constant 6 : i32
      %add3A_98 = vector.broadcast %add3A_97 : i32 to vector<16xi32>
      %add3A_99 = arith.addi %mul3A_19, %add3A_98 : vector<16xi32>
      %gather3A_100 = tpu.vector_load_idx %arg5[%add3A_13, %add3A_99] : memref<512x128xf32, #tpu.memory_space<vmem>>[vector<16xi32>, vector<16xi32>], vector<16xf32>,
      %sub3A_101 = arith.subf %gather3A_100, %max3A_54 : vector<16xf32>
      %exp3A_102 = math.exp %sub3A_101 : vector<16xf32>
      %add3A_103 = arith.addf %add3A_96, %exp3A_102 : vector<16xf32>
      %add3A_104 = arith.constant 7 : i32
      %add3A_105 = vector.broadcast %add3A_104 : i32 to vector<16xi32>
      %add3A_106 = arith.addi %mul3A_19, %add3A_105 : vector<16xi32>
      %gather3A_107 = tpu.vector_load_idx %arg5[%add3A_13, %add3A_106] : memref<512x128xf32, #tpu.memory_space<vmem>>[vector<16xi32>, vector<16xi32>], vector<16xf32>,
      %sub3A_108 = arith.subf %gather3A_107, %max3A_54 : vector<16xf32>
      %exp3A_109 = math.exp %sub3A_108 : vector<16xf32>
      %add3A_110 = arith.addf %add3A_103, %exp3A_109 : vector<16xf32>
      %bitcast_convert_type3A = tpu.bitcast %add3A_110 : vector<16xf32> -> vector<16xi32>
      %shift_right_arithmetic3A = arith.constant 23 : i32
      %shift_right_arithmetic3A_111 = vector.broadcast %shift_right_arithmetic3A : i32 to vector<16xi32>
      %shift_right_arithmetic3A_112 = arith.shrsi %bitcast_convert_type3A, %shift_right_arithmetic3A_111 : vector<16xi32>
      %sub3A_113 = arith.constant 127 : i32
      %sub3A_114 = vector.broadcast %sub3A_113 : i32 to vector<16xi32>
      %sub3A_115 = arith.subi %shift_right_arithmetic3A_112, %sub3A_114 : vector<16xi32>
      %and3A = arith.constant 8388607 : i32
      %and3A_116 = vector.broadcast %and3A : i32 to vector<16xi32>
      %and3A_117 = arith.andi %bitcast_convert_type3A, %and3A_116 : vector<16xi32>
      %or3A = arith.constant 1065353216 : i32
      %or3A_118 = vector.broadcast %or3A : i32 to vector<16xi32>
      %or3A_119 = arith.ori %and3A_117, %or3A_118 : vector<16xi32>
      %bitcast_convert_type3A_120 = tpu.bitcast %or3A_119 : vector<16xi32> -> vector<16xf32>
      %gt3A_121 = arith.constant 1.41421354 : f32
      %gt3A_122 = vector.broadcast %gt3A_121 : f32 to vector<16xf32>
      %gt3A_123 = arith.cmpf ogt, %bitcast_convert_type3A_120, %gt3A_122 : vector<16xf32>
      %mul3A_124 = arith.constant 5.000000e-01 : f32
      %mul3A_125 = vector.broadcast %mul3A_124 : f32 to vector<16xf32>
      %mul3A_126 = arith.mulf %bitcast_convert_type3A_120, %mul3A_125 : vector<16xf32>
      %select_n3A = arith.select %gt3A_123, %mul3A_126, %bitcast_convert_type3A_120 : vector<16xi1>, vector<16xf32>
      %convert_element_type3A_127 = arith.sitofp %sub3A_115 : vector<16xi32> to vector<16xf32>
      %jit3A = arith.constant 1.000000e+00 : f32
      %jit3A_128 = arith.constant 0.000000e+00 : f32
      %broadcast_in_dim3A_129 = vector.broadcast %jit3A : f32 to vector<16xf32>
      %broadcast_in_dim3A_130 = vector.broadcast %jit3A_128 : f32 to vector<16xf32>
      %select_n3A_131 = arith.select %gt3A_123, %broadcast_in_dim3A_129, %broadcast_in_dim3A_130 : vector<16xi1>, vector<16xf32>
      %add3A_132 = arith.addf %convert_element_type3A_127, %select_n3A_131 : vector<16xf32>
      %sub3A_133 = arith.constant 1.000000e+00 : f32
      %sub3A_134 = vector.broadcast %sub3A_133 : f32 to vector<16xf32>
      %sub3A_135 = arith.subf %select_n3A, %sub3A_134 : vector<16xf32>
      %add3A_136 = arith.constant 1.000000e+00 : f32
      %add3A_137 = vector.broadcast %add3A_136 : f32 to vector<16xf32>
      %add3A_138 = arith.addf %select_n3A, %add3A_137 : vector<16xf32>
      %div3A = arith.divf %sub3A_135, %add3A_138 : vector<16xf32>
      %mul3A_139 = arith.mulf %div3A, %div3A : vector<16xf32>
      %mul3A_140 = arith.constant 0.285714298 : f32
      %mul3A_141 = vector.broadcast %mul3A_140 : f32 to vector<16xf32>
      %mul3A_142 = arith.mulf %mul3A_139, %mul3A_141 : vector<16xf32>
      %add3A_143 = arith.constant 4.000000e-01 : f32
      %add3A_144 = vector.broadcast %add3A_143 : f32 to vector<16xf32>
      %add3A_145 = arith.addf %add3A_144, %mul3A_142 : vector<16xf32>
      %mul3A_146 = arith.mulf %mul3A_139, %add3A_145 : vector<16xf32>
      %add3A_147 = arith.constant 0.666666686 : f32
      %add3A_148 = vector.broadcast %add3A_147 : f32 to vector<16xf32>
      %add3A_149 = arith.addf %add3A_148, %mul3A_146 : vector<16xf32>
      %mul3A_150 = arith.mulf %mul3A_139, %add3A_149 : vector<16xf32>
      %add3A_151 = arith.constant 2.000000e+00 : f32
      %add3A_152 = vector.broadcast %add3A_151 : f32 to vector<16xf32>
      %add3A_153 = arith.addf %add3A_152, %mul3A_150 : vector<16xf32>
      %mul3A_154 = arith.mulf %div3A, %add3A_153 : vector<16xf32>
      %mul3A_155 = arith.constant 0.693147182 : f32
      %mul3A_156 = vector.broadcast %mul3A_155 : f32 to vector<16xf32>
      %mul3A_157 = arith.mulf %add3A_132, %mul3A_156 : vector<16xf32>
      %add3A_158 = arith.addf %mul3A_157, %mul3A_154 : vector<16xf32>
      %add3A_159 = arith.addf %max3A_54, %add3A_158 : vector<16xf32>
      %mul3A_160 = arith.constant 16 : i32
      %mul3A_161 = arith.muli %scan3A_9, %mul3A_160 : i32
      %get3A = arith.index_cast %mul3A_161 : i32 to index
      %get3A_162 = tpu.vector_load %arg6[%get3A] {strides = array<i32>} : memref<512xi32, #tpu.memory_space<vmem>>, vector<16xi32>,
      %add3A_163 = arith.addi %mul3A_19, %get3A_162 : vector<16xi32>
      %gather3A_164 = tpu.vector_load_idx %arg5[%add3A_13, %add3A_163] : memref<512x128xf32, #tpu.memory_space<vmem>>[vector<16xi32>, vector<16xi32>], vector<16xf32>,
      %sub3A_165 = arith.subf %gather3A_164, %add3A_159 : vector<16xf32>
      %add3A_166 = arith.constant 16 : i32
      %add3A_167 = vector.broadcast %add3A_166 : i32 to vector<16xi32>
      %add3A_168 = arith.addi %add3A_167, %convert_element_type3A : vector<16xi32>
      %gather3A_169 = tpu.vector_load_idx %arg5[%add3A_13, %add3A_168] : memref<512x128xf32, #tpu.memory_space<vmem>>[vector<16xi32>, vector<16xi32>], vector<16xf32>,
      %mul3A_170 = arith.constant 2 : i32
      %mul3A_171 = vector.broadcast %mul3A_170 : i32 to vector<16xi32>
      %mul3A_172 = arith.muli %add3A_13, %mul3A_171 : vector<16xi32>
      tpu.vector_store_idx %arg7[%mul3A_172], %sub3A_165 : memref<1024xf32, #tpu.memory_space<vmem>>[vector<16xi32>], vector<16xf32>,
      %mul3A_173 = arith.constant 2 : i32
      %mul3A_174 = vector.broadcast %mul3A_173 : i32 to vector<16xi32>
      %mul3A_175 = arith.muli %add3A_13, %mul3A_174 : vector<16xi32>
      %add3A_176 = arith.constant 1 : i32
      %add3A_177 = vector.broadcast %add3A_176 : i32 to vector<16xi32>
      %add3A_178 = arith.addi %mul3A_175, %add3A_177 : vector<16xi32>
      tpu.vector_store_idx %arg7[%add3A_178], %gather3A_169 : memref<1024xf32, #tpu.memory_space<vmem>>[vector<16xi32>], vector<16xf32>,
    }
    %scan3A_6 = arith.constant 32 : i32
    %mul3A_7 = arith.constant 2 : i32
    %mul3A_8 = arith.muli %mul3A_2, %mul3A_7 : i32
    "tpu.region"() ({
      %run_scoped3A = tpu.sem_alloc : memref<!tpu.dma_semaphore, #tpu.memory_space<semaphore_mem>>
      %dma_start3A = tpu.memref_slice %arg4[%mul3A_8] : memref<32768xf32, #tpu.memory_space<hbm>> -> memref<1024xf32, #tpu.memory_space<hbm>>
      %dma_start3A_9 = tpu.memref_slice %arg4[%mul3A_8] : memref<32768xf32, #tpu.memory_space<hbm>> -> memref<1024xf32, #tpu.memory_space<hbm>>
      tpu.enqueue_dma source(%arg7 : memref<1024xf32, #tpu.memory_space<vmem>>) target(%dma_start3A_9 : memref<1024xf32, #tpu.memory_space<hbm>>) target_semaphore(%run_scoped3A : memref<!tpu.dma_semaphore, #tpu.memory_space<semaphore_mem>>)
      %dma_wait3A = tpu.memref_slice %arg4[%mul3A_8] : memref<32768xf32, #tpu.memory_space<hbm>> -> memref<1024xf32, #tpu.memory_space<hbm>>
      %dma_wait3A_10 = tpu.memref_slice %arg4[%mul3A_8] : memref<32768xf32, #tpu.memory_space<hbm>> -> memref<1024xf32, #tpu.memory_space<hbm>>
      tpu.wait_dma2 semaphore(%run_scoped3A : memref<!tpu.dma_semaphore, #tpu.memory_space<semaphore_mem>>) src(%arg7 : memref<1024xf32, #tpu.memory_space<vmem>>) dst(%dma_wait3A_10 : memref<1024xf32, #tpu.memory_space<hbm>>)
      tpu.yield
    }) : () -> ()
    return
  }
}

module attributes {stable_mosaic.version = 14 : i64} {
  func.func @_assemble_body(%arg0: memref<784x32xf32, #tpu.memory_space<vmem>>, %arg1: memref<32xf32, #tpu.memory_space<vmem>>, %arg2: memref<32x32xf32, #tpu.memory_space<vmem>>, %arg3: memref<32xf32, #tpu.memory_space<vmem>>, %arg4: memref<32x8xf32, #tpu.memory_space<vmem>>, %arg5: memref<8xf32, #tpu.memory_space<vmem>>, %arg6: memref<1536x32xf32, #tpu.memory_space<vmem>>, %arg7: memref<32xf32, #tpu.memory_space<vmem>>, %arg8: memref<32x32xf32, #tpu.memory_space<vmem>>, %arg9: memref<32xf32, #tpu.memory_space<vmem>>, %arg10: memref<32x8xf32, #tpu.memory_space<vmem>>, %arg11: memref<8xf32, #tpu.memory_space<vmem>>, %arg12: memref<1553x32xf32, #tpu.memory_space<vmem>>, %arg13: memref<32xf32, #tpu.memory_space<vmem>>, %arg14: memref<32x32xf32, #tpu.memory_space<vmem>>, %arg15: memref<32xf32, #tpu.memory_space<vmem>>, %arg16: memref<32x1xf32, #tpu.memory_space<vmem>>, %arg17: memref<1xf32, #tpu.memory_space<vmem>>, %arg18: memref<1553x32xf32, #tpu.memory_space<vmem>>, %arg19: memref<32xf32, #tpu.memory_space<vmem>>, %arg20: memref<32x32xf32, #tpu.memory_space<vmem>>, %arg21: memref<32xf32, #tpu.memory_space<vmem>>, %arg22: memref<32x1xf32, #tpu.memory_space<vmem>>, %arg23: memref<1xf32, #tpu.memory_space<vmem>>, %arg24: memref<1536x128xbf16, #tpu.memory_space<vmem>>, %arg25: memref<24x128xf32, #tpu.memory_space<vmem>>, %arg26: memref<1x128xf32, #tpu.memory_space<vmem>>, %arg27: memref<128x128xf32, #tpu.memory_space<vmem>>, %arg28: memref<1x128xf32, #tpu.memory_space<vmem>>, %arg29: memref<128x32xf32, #tpu.memory_space<vmem>>, %arg30: memref<1x32xf32, #tpu.memory_space<vmem>>) attributes {dimension_semantics = [], scalar_prefetch = 0 : i64, scratch_operands = 0 : i64, tpu.core_type = #tpu.core_type<tc>} {
    %broadcast_in_dim3A = arith.constant 0.000000e+00 : bf16
    %broadcast_in_dim3A_0 = vector.broadcast %broadcast_in_dim3A : bf16 to vector<1536x128xbf16>
    %swap3A = arith.constant 0 : index
    %swap3A_1 = arith.constant 0 : index
    %swap3A_2 = vector.load %arg24[%swap3A, %swap3A_1] : memref<1536x128xbf16, #tpu.memory_space<vmem>>, vector<1536x128xbf16>
    tpu.vector_store %arg24[%swap3A, %swap3A_1], %broadcast_in_dim3A_0 {strides = array<i32>} : memref<1536x128xbf16, #tpu.memory_space<vmem>>, vector<1536x128xbf16>,
    %get3A = arith.constant 0 : index
    %get3A_3 = arith.constant 0 : index
    %get3A_4 = vector.load %arg0[%get3A, %get3A_3] : memref<784x32xf32, #tpu.memory_space<vmem>>, vector<784x32xf32>
    %convert_element_type3A = arith.truncf %get3A_4 : vector<784x32xf32> to vector<784x32xbf16>
    %swap3A_5 = arith.constant 0 : index
    %swap3A_6 = arith.constant 0 : index
    %swap3A_7 = vector.load %arg24[%swap3A_5, %swap3A_6] : memref<1536x128xbf16, #tpu.memory_space<vmem>>, vector<784x32xbf16>
    tpu.vector_store %arg24[%swap3A_5, %swap3A_6], %convert_element_type3A {strides = array<i32>} : memref<1536x128xbf16, #tpu.memory_space<vmem>>, vector<784x32xbf16>,
    %get3A_8 = arith.constant 0 : index
    %get3A_9 = arith.constant 0 : index
    %get3A_10 = vector.load %arg6[%get3A_8, %get3A_9] : memref<1536x32xf32, #tpu.memory_space<vmem>>, vector<768x32xf32>
    %convert_element_type3A_11 = arith.truncf %get3A_10 : vector<768x32xf32> to vector<768x32xbf16>
    %swap3A_12 = arith.constant 0 : index
    %swap3A_13 = arith.constant 32 : index
    %swap3A_14 = vector.load %arg24[%swap3A_12, %swap3A_13] : memref<1536x128xbf16, #tpu.memory_space<vmem>>, vector<768x32xbf16>
    tpu.vector_store %arg24[%swap3A_12, %swap3A_13], %convert_element_type3A_11 {strides = array<i32>} : memref<1536x128xbf16, #tpu.memory_space<vmem>>, vector<768x32xbf16>,
    %get3A_15 = arith.constant 768 : index
    %get3A_16 = arith.constant 0 : index
    %get3A_17 = vector.load %arg6[%get3A_15, %get3A_16] : memref<1536x32xf32, #tpu.memory_space<vmem>>, vector<752x32xf32>
    %convert_element_type3A_18 = arith.truncf %get3A_17 : vector<752x32xf32> to vector<752x32xbf16>
    %swap3A_19 = arith.constant 784 : index
    %swap3A_20 = arith.constant 32 : index
    %swap3A_21 = vector.load %arg24[%swap3A_19, %swap3A_20] : memref<1536x128xbf16, #tpu.memory_space<vmem>>, vector<752x32xbf16>
    tpu.vector_store %arg24[%swap3A_19, %swap3A_20], %convert_element_type3A_18 {strides = array<i32>} : memref<1536x128xbf16, #tpu.memory_space<vmem>>, vector<752x32xbf16>,
    %get3A_22 = arith.constant 0 : index
    %get3A_23 = arith.constant 0 : index
    %get3A_24 = vector.load %arg12[%get3A_22, %get3A_23] : memref<1553x32xf32, #tpu.memory_space<vmem>>, vector<1536x32xf32>
    %convert_element_type3A_25 = arith.truncf %get3A_24 : vector<1536x32xf32> to vector<1536x32xbf16>
    %swap3A_26 = arith.constant 0 : index
    %swap3A_27 = arith.constant 64 : index
    %swap3A_28 = vector.load %arg24[%swap3A_26, %swap3A_27] : memref<1536x128xbf16, #tpu.memory_space<vmem>>, vector<1536x32xbf16>
    tpu.vector_store %arg24[%swap3A_26, %swap3A_27], %convert_element_type3A_25 {strides = array<i32>} : memref<1536x128xbf16, #tpu.memory_space<vmem>>, vector<1536x32xbf16>,
    %get3A_29 = arith.constant 0 : index
    %get3A_30 = arith.constant 0 : index
    %get3A_31 = vector.load %arg18[%get3A_29, %get3A_30] : memref<1553x32xf32, #tpu.memory_space<vmem>>, vector<1536x32xf32>
    %convert_element_type3A_32 = arith.truncf %get3A_31 : vector<1536x32xf32> to vector<1536x32xbf16>
    %swap3A_33 = arith.constant 0 : index
    %swap3A_34 = arith.constant 96 : index
    %swap3A_35 = vector.load %arg24[%swap3A_33, %swap3A_34] : memref<1536x128xbf16, #tpu.memory_space<vmem>>, vector<1536x32xbf16>
    tpu.vector_store %arg24[%swap3A_33, %swap3A_34], %convert_element_type3A_32 {strides = array<i32>} : memref<1536x128xbf16, #tpu.memory_space<vmem>>, vector<1536x32xbf16>,
    %broadcast_in_dim3A_36 = arith.constant 0.000000e+00 : f32
    %broadcast_in_dim3A_37 = vector.broadcast %broadcast_in_dim3A_36 : f32 to vector<24x128xf32>
    %swap3A_38 = arith.constant 0 : index
    %swap3A_39 = arith.constant 0 : index
    %swap3A_40 = vector.load %arg25[%swap3A_38, %swap3A_39] : memref<24x128xf32, #tpu.memory_space<vmem>>, vector<24x128xf32>
    tpu.vector_store %arg25[%swap3A_38, %swap3A_39], %broadcast_in_dim3A_37 {strides = array<i32>} : memref<24x128xf32, #tpu.memory_space<vmem>>, vector<24x128xf32>,
    %get3A_41 = arith.constant 1520 : index
    %get3A_42 = arith.constant 0 : index
    %get3A_43 = vector.load %arg6[%get3A_41, %get3A_42] : memref<1536x32xf32, #tpu.memory_space<vmem>>, vector<16x32xf32>
    %swap3A_44 = arith.constant 0 : index
    %swap3A_45 = arith.constant 32 : index
    %swap3A_46 = vector.load %arg25[%swap3A_44, %swap3A_45] : memref<24x128xf32, #tpu.memory_space<vmem>>, vector<16x32xf32>
    tpu.vector_store %arg25[%swap3A_44, %swap3A_45], %get3A_43 {strides = array<i32>} : memref<24x128xf32, #tpu.memory_space<vmem>>, vector<16x32xf32>,
    %get3A_47 = arith.constant 1536 : index
    %get3A_48 = arith.constant 0 : index
    %get3A_49 = vector.load %arg12[%get3A_47, %get3A_48] : memref<1553x32xf32, #tpu.memory_space<vmem>>, vector<17x32xf32>
    %swap3A_50 = arith.constant 0 : index
    %swap3A_51 = arith.constant 64 : index
    %swap3A_52 = vector.load %arg25[%swap3A_50, %swap3A_51] : memref<24x128xf32, #tpu.memory_space<vmem>>, vector<17x32xf32>
    tpu.vector_store %arg25[%swap3A_50, %swap3A_51], %get3A_49 {strides = array<i32>} : memref<24x128xf32, #tpu.memory_space<vmem>>, vector<17x32xf32>,
    %get3A_53 = arith.constant 1536 : index
    %get3A_54 = arith.constant 0 : index
    %get3A_55 = vector.load %arg18[%get3A_53, %get3A_54] : memref<1553x32xf32, #tpu.memory_space<vmem>>, vector<17x32xf32>
    %swap3A_56 = arith.constant 0 : index
    %swap3A_57 = arith.constant 96 : index
    %swap3A_58 = vector.load %arg25[%swap3A_56, %swap3A_57] : memref<24x128xf32, #tpu.memory_space<vmem>>, vector<17x32xf32>
    tpu.vector_store %arg25[%swap3A_56, %swap3A_57], %get3A_55 {strides = array<i32>} : memref<24x128xf32, #tpu.memory_space<vmem>>, vector<17x32xf32>,
    %broadcast_in_dim3A_59 = arith.constant 0.000000e+00 : f32
    %broadcast_in_dim3A_60 = vector.broadcast %broadcast_in_dim3A_59 : f32 to vector<128x128xf32>
    %swap3A_61 = arith.constant 0 : index
    %swap3A_62 = arith.constant 0 : index
    %swap3A_63 = vector.load %arg27[%swap3A_61, %swap3A_62] : memref<128x128xf32, #tpu.memory_space<vmem>>, vector<128x128xf32>
    tpu.vector_store %arg27[%swap3A_61, %swap3A_62], %broadcast_in_dim3A_60 {strides = array<i32>} : memref<128x128xf32, #tpu.memory_space<vmem>>, vector<128x128xf32>,
    %get3A_64 = arith.constant 0 : index
    %get3A_65 = arith.constant 0 : index
    %get3A_66 = vector.load %arg2[%get3A_64, %get3A_65] : memref<32x32xf32, #tpu.memory_space<vmem>>, vector<32x32xf32>
    %swap3A_67 = arith.constant 0 : index
    %swap3A_68 = arith.constant 0 : index
    %swap3A_69 = vector.load %arg27[%swap3A_67, %swap3A_68] : memref<128x128xf32, #tpu.memory_space<vmem>>, vector<32x32xf32>
    tpu.vector_store %arg27[%swap3A_67, %swap3A_68], %get3A_66 {strides = array<i32>} : memref<128x128xf32, #tpu.memory_space<vmem>>, vector<32x32xf32>,
    %get3A_70 = arith.constant 0 : index
    %get3A_71 = arith.constant 0 : index
    %get3A_72 = vector.load %arg8[%get3A_70, %get3A_71] : memref<32x32xf32, #tpu.memory_space<vmem>>, vector<32x32xf32>
    %swap3A_73 = arith.constant 32 : index
    %swap3A_74 = arith.constant 32 : index
    %swap3A_75 = vector.load %arg27[%swap3A_73, %swap3A_74] : memref<128x128xf32, #tpu.memory_space<vmem>>, vector<32x32xf32>
    tpu.vector_store %arg27[%swap3A_73, %swap3A_74], %get3A_72 {strides = array<i32>} : memref<128x128xf32, #tpu.memory_space<vmem>>, vector<32x32xf32>,
    %get3A_76 = arith.constant 0 : index
    %get3A_77 = arith.constant 0 : index
    %get3A_78 = vector.load %arg14[%get3A_76, %get3A_77] : memref<32x32xf32, #tpu.memory_space<vmem>>, vector<32x32xf32>
    %swap3A_79 = arith.constant 64 : index
    %swap3A_80 = arith.constant 64 : index
    %swap3A_81 = vector.load %arg27[%swap3A_79, %swap3A_80] : memref<128x128xf32, #tpu.memory_space<vmem>>, vector<32x32xf32>
    tpu.vector_store %arg27[%swap3A_79, %swap3A_80], %get3A_78 {strides = array<i32>} : memref<128x128xf32, #tpu.memory_space<vmem>>, vector<32x32xf32>,
    %get3A_82 = arith.constant 0 : index
    %get3A_83 = arith.constant 0 : index
    %get3A_84 = vector.load %arg20[%get3A_82, %get3A_83] : memref<32x32xf32, #tpu.memory_space<vmem>>, vector<32x32xf32>
    %swap3A_85 = arith.constant 96 : index
    %swap3A_86 = arith.constant 96 : index
    %swap3A_87 = vector.load %arg27[%swap3A_85, %swap3A_86] : memref<128x128xf32, #tpu.memory_space<vmem>>, vector<32x32xf32>
    tpu.vector_store %arg27[%swap3A_85, %swap3A_86], %get3A_84 {strides = array<i32>} : memref<128x128xf32, #tpu.memory_space<vmem>>, vector<32x32xf32>,
    %broadcast_in_dim3A_88 = arith.constant 0.000000e+00 : f32
    %broadcast_in_dim3A_89 = vector.broadcast %broadcast_in_dim3A_88 : f32 to vector<128x32xf32>
    %swap3A_90 = arith.constant 0 : index
    %swap3A_91 = arith.constant 0 : index
    %swap3A_92 = vector.load %arg29[%swap3A_90, %swap3A_91] : memref<128x32xf32, #tpu.memory_space<vmem>>, vector<128x32xf32>
    tpu.vector_store %arg29[%swap3A_90, %swap3A_91], %broadcast_in_dim3A_89 {strides = array<i32>} : memref<128x32xf32, #tpu.memory_space<vmem>>, vector<128x32xf32>,
    %get3A_93 = arith.constant 0 : index
    %get3A_94 = arith.constant 0 : index
    %get3A_95 = vector.load %arg4[%get3A_93, %get3A_94] : memref<32x8xf32, #tpu.memory_space<vmem>>, vector<32x8xf32>
    %swap3A_96 = arith.constant 0 : index
    %swap3A_97 = arith.constant 0 : index
    %swap3A_98 = vector.load %arg29[%swap3A_96, %swap3A_97] : memref<128x32xf32, #tpu.memory_space<vmem>>, vector<32x8xf32>
    tpu.vector_store %arg29[%swap3A_96, %swap3A_97], %get3A_95 {strides = array<i32>} : memref<128x32xf32, #tpu.memory_space<vmem>>, vector<32x8xf32>,
    %get3A_99 = arith.constant 0 : index
    %get3A_100 = arith.constant 0 : index
    %get3A_101 = vector.load %arg10[%get3A_99, %get3A_100] : memref<32x8xf32, #tpu.memory_space<vmem>>, vector<32x8xf32>
    %swap3A_102 = arith.constant 32 : index
    %swap3A_103 = arith.constant 8 : index
    %swap3A_104 = vector.load %arg29[%swap3A_102, %swap3A_103] : memref<128x32xf32, #tpu.memory_space<vmem>>, vector<32x8xf32>
    tpu.vector_store %arg29[%swap3A_102, %swap3A_103], %get3A_101 {strides = array<i32>} : memref<128x32xf32, #tpu.memory_space<vmem>>, vector<32x8xf32>,
    %get3A_105 = arith.constant 0 : index
    %get3A_106 = arith.constant 0 : index
    %get3A_107 = vector.load %arg16[%get3A_105, %get3A_106] : memref<32x1xf32, #tpu.memory_space<vmem>>, vector<32x1xf32>
    %swap3A_108 = arith.constant 64 : index
    %swap3A_109 = arith.constant 16 : index
    %swap3A_110 = vector.load %arg29[%swap3A_108, %swap3A_109] : memref<128x32xf32, #tpu.memory_space<vmem>>, vector<32x1xf32>
    tpu.vector_store %arg29[%swap3A_108, %swap3A_109], %get3A_107 {strides = array<i32>} : memref<128x32xf32, #tpu.memory_space<vmem>>, vector<32x1xf32>,
    %get3A_111 = arith.constant 0 : index
    %get3A_112 = arith.constant 0 : index
    %get3A_113 = vector.load %arg22[%get3A_111, %get3A_112] : memref<32x1xf32, #tpu.memory_space<vmem>>, vector<32x1xf32>
    %swap3A_114 = arith.constant 96 : index
    %swap3A_115 = arith.constant 17 : index
    %swap3A_116 = vector.load %arg29[%swap3A_114, %swap3A_115] : memref<128x32xf32, #tpu.memory_space<vmem>>, vector<32x1xf32>
    tpu.vector_store %arg29[%swap3A_114, %swap3A_115], %get3A_113 {strides = array<i32>} : memref<128x32xf32, #tpu.memory_space<vmem>>, vector<32x1xf32>,
    %get3A_117 = arith.constant 0 : index
    %get3A_118 = vector.load %arg1[%get3A_117] : memref<32xf32, #tpu.memory_space<vmem>>, vector<32xf32>
    %reshape3A = vector.shape_cast %get3A_118 : vector<32xf32> to vector<1x32xf32>
    %swap3A_119 = arith.constant 0 : index
    %swap3A_120 = arith.constant 0 : index
    %swap3A_121 = vector.load %arg26[%swap3A_119, %swap3A_120] : memref<1x128xf32, #tpu.memory_space<vmem>>, vector<1x32xf32>
    tpu.vector_store %arg26[%swap3A_119, %swap3A_120], %reshape3A {strides = array<i32>} : memref<1x128xf32, #tpu.memory_space<vmem>>, vector<1x32xf32>,
    %get3A_122 = arith.constant 0 : index
    %get3A_123 = vector.load %arg7[%get3A_122] : memref<32xf32, #tpu.memory_space<vmem>>, vector<32xf32>
    %reshape3A_124 = vector.shape_cast %get3A_123 : vector<32xf32> to vector<1x32xf32>
    %swap3A_125 = arith.constant 0 : index
    %swap3A_126 = arith.constant 32 : index
    %swap3A_127 = vector.load %arg26[%swap3A_125, %swap3A_126] : memref<1x128xf32, #tpu.memory_space<vmem>>, vector<1x32xf32>
    tpu.vector_store %arg26[%swap3A_125, %swap3A_126], %reshape3A_124 {strides = array<i32>} : memref<1x128xf32, #tpu.memory_space<vmem>>, vector<1x32xf32>,
    %get3A_128 = arith.constant 0 : index
    %get3A_129 = vector.load %arg13[%get3A_128] : memref<32xf32, #tpu.memory_space<vmem>>, vector<32xf32>
    %reshape3A_130 = vector.shape_cast %get3A_129 : vector<32xf32> to vector<1x32xf32>
    %swap3A_131 = arith.constant 0 : index
    %swap3A_132 = arith.constant 64 : index
    %swap3A_133 = vector.load %arg26[%swap3A_131, %swap3A_132] : memref<1x128xf32, #tpu.memory_space<vmem>>, vector<1x32xf32>
    tpu.vector_store %arg26[%swap3A_131, %swap3A_132], %reshape3A_130 {strides = array<i32>} : memref<1x128xf32, #tpu.memory_space<vmem>>, vector<1x32xf32>,
    %get3A_134 = arith.constant 0 : index
    %get3A_135 = vector.load %arg19[%get3A_134] : memref<32xf32, #tpu.memory_space<vmem>>, vector<32xf32>
    %reshape3A_136 = vector.shape_cast %get3A_135 : vector<32xf32> to vector<1x32xf32>
    %swap3A_137 = arith.constant 0 : index
    %swap3A_138 = arith.constant 96 : index
    %swap3A_139 = vector.load %arg26[%swap3A_137, %swap3A_138] : memref<1x128xf32, #tpu.memory_space<vmem>>, vector<1x32xf32>
    tpu.vector_store %arg26[%swap3A_137, %swap3A_138], %reshape3A_136 {strides = array<i32>} : memref<1x128xf32, #tpu.memory_space<vmem>>, vector<1x32xf32>,
    %get3A_140 = arith.constant 0 : index
    %get3A_141 = vector.load %arg3[%get3A_140] : memref<32xf32, #tpu.memory_space<vmem>>, vector<32xf32>
    %reshape3A_142 = vector.shape_cast %get3A_141 : vector<32xf32> to vector<1x32xf32>
    %swap3A_143 = arith.constant 0 : index
    %swap3A_144 = arith.constant 0 : index
    %swap3A_145 = vector.load %arg28[%swap3A_143, %swap3A_144] : memref<1x128xf32, #tpu.memory_space<vmem>>, vector<1x32xf32>
    tpu.vector_store %arg28[%swap3A_143, %swap3A_144], %reshape3A_142 {strides = array<i32>} : memref<1x128xf32, #tpu.memory_space<vmem>>, vector<1x32xf32>,
    %get3A_146 = arith.constant 0 : index
    %get3A_147 = vector.load %arg9[%get3A_146] : memref<32xf32, #tpu.memory_space<vmem>>, vector<32xf32>
    %reshape3A_148 = vector.shape_cast %get3A_147 : vector<32xf32> to vector<1x32xf32>
    %swap3A_149 = arith.constant 0 : index
    %swap3A_150 = arith.constant 32 : index
    %swap3A_151 = vector.load %arg28[%swap3A_149, %swap3A_150] : memref<1x128xf32, #tpu.memory_space<vmem>>, vector<1x32xf32>
    tpu.vector_store %arg28[%swap3A_149, %swap3A_150], %reshape3A_148 {strides = array<i32>} : memref<1x128xf32, #tpu.memory_space<vmem>>, vector<1x32xf32>,
    %get3A_152 = arith.constant 0 : index
    %get3A_153 = vector.load %arg15[%get3A_152] : memref<32xf32, #tpu.memory_space<vmem>>, vector<32xf32>
    %reshape3A_154 = vector.shape_cast %get3A_153 : vector<32xf32> to vector<1x32xf32>
    %swap3A_155 = arith.constant 0 : index
    %swap3A_156 = arith.constant 64 : index
    %swap3A_157 = vector.load %arg28[%swap3A_155, %swap3A_156] : memref<1x128xf32, #tpu.memory_space<vmem>>, vector<1x32xf32>
    tpu.vector_store %arg28[%swap3A_155, %swap3A_156], %reshape3A_154 {strides = array<i32>} : memref<1x128xf32, #tpu.memory_space<vmem>>, vector<1x32xf32>,
    %get3A_158 = arith.constant 0 : index
    %get3A_159 = vector.load %arg21[%get3A_158] : memref<32xf32, #tpu.memory_space<vmem>>, vector<32xf32>
    %reshape3A_160 = vector.shape_cast %get3A_159 : vector<32xf32> to vector<1x32xf32>
    %swap3A_161 = arith.constant 0 : index
    %swap3A_162 = arith.constant 96 : index
    %swap3A_163 = vector.load %arg28[%swap3A_161, %swap3A_162] : memref<1x128xf32, #tpu.memory_space<vmem>>, vector<1x32xf32>
    tpu.vector_store %arg28[%swap3A_161, %swap3A_162], %reshape3A_160 {strides = array<i32>} : memref<1x128xf32, #tpu.memory_space<vmem>>, vector<1x32xf32>,
    %broadcast_in_dim3A_164 = arith.constant 0.000000e+00 : f32
    %broadcast_in_dim3A_165 = vector.broadcast %broadcast_in_dim3A_164 : f32 to vector<1x32xf32>
    %swap3A_166 = arith.constant 0 : index
    %swap3A_167 = arith.constant 0 : index
    %swap3A_168 = vector.load %arg30[%swap3A_166, %swap3A_167] : memref<1x32xf32, #tpu.memory_space<vmem>>, vector<1x32xf32>
    tpu.vector_store %arg30[%swap3A_166, %swap3A_167], %broadcast_in_dim3A_165 {strides = array<i32>} : memref<1x32xf32, #tpu.memory_space<vmem>>, vector<1x32xf32>,
    %get3A_169 = arith.constant 0 : index
    %get3A_170 = vector.load %arg5[%get3A_169] : memref<8xf32, #tpu.memory_space<vmem>>, vector<8xf32>
    %reshape3A_171 = vector.shape_cast %get3A_170 : vector<8xf32> to vector<1x8xf32>
    %swap3A_172 = arith.constant 0 : index
    %swap3A_173 = arith.constant 0 : index
    %swap3A_174 = vector.load %arg30[%swap3A_172, %swap3A_173] : memref<1x32xf32, #tpu.memory_space<vmem>>, vector<1x8xf32>
    tpu.vector_store %arg30[%swap3A_172, %swap3A_173], %reshape3A_171 {strides = array<i32>} : memref<1x32xf32, #tpu.memory_space<vmem>>, vector<1x8xf32>,
    %get3A_175 = arith.constant 0 : index
    %get3A_176 = vector.load %arg11[%get3A_175] : memref<8xf32, #tpu.memory_space<vmem>>, vector<8xf32>
    %reshape3A_177 = vector.shape_cast %get3A_176 : vector<8xf32> to vector<1x8xf32>
    %swap3A_178 = arith.constant 0 : index
    %swap3A_179 = arith.constant 8 : index
    %swap3A_180 = vector.load %arg30[%swap3A_178, %swap3A_179] : memref<1x32xf32, #tpu.memory_space<vmem>>, vector<1x8xf32>
    tpu.vector_store %arg30[%swap3A_178, %swap3A_179], %reshape3A_177 {strides = array<i32>} : memref<1x32xf32, #tpu.memory_space<vmem>>, vector<1x8xf32>,
    %get3A_181 = arith.constant 0 : index
    %get3A_182 = vector.load %arg17[%get3A_181] : memref<1xf32, #tpu.memory_space<vmem>>, vector<1xf32>
    %reshape3A_183 = vector.shape_cast %get3A_182 : vector<1xf32> to vector<1x1xf32>
    %swap3A_184 = arith.constant 0 : index
    %swap3A_185 = arith.constant 16 : index
    %swap3A_186 = vector.load %arg30[%swap3A_184, %swap3A_185] : memref<1x32xf32, #tpu.memory_space<vmem>>, vector<1x1xf32>
    tpu.vector_store %arg30[%swap3A_184, %swap3A_185], %reshape3A_183 {strides = array<i32>} : memref<1x32xf32, #tpu.memory_space<vmem>>, vector<1x1xf32>,
    %get3A_187 = arith.constant 0 : index
    %get3A_188 = vector.load %arg23[%get3A_187] : memref<1xf32, #tpu.memory_space<vmem>>, vector<1xf32>
    %reshape3A_189 = vector.shape_cast %get3A_188 : vector<1xf32> to vector<1x1xf32>
    %swap3A_190 = arith.constant 0 : index
    %swap3A_191 = arith.constant 17 : index
    %swap3A_192 = vector.load %arg30[%swap3A_190, %swap3A_191] : memref<1x32xf32, #tpu.memory_space<vmem>>, vector<1x1xf32>
    tpu.vector_store %arg30[%swap3A_190, %swap3A_191], %reshape3A_189 {strides = array<i32>} : memref<1x32xf32, #tpu.memory_space<vmem>>, vector<1x1xf32>,
    return
  }
}

module attributes {stable_mosaic.version = 14 : i64} {
  func.func @_dense_body(%arg0: i32, %arg1: memref<12x1024x128xbf16, #tpu.memory_space<vmem>>, %arg2: memref<12x1024x128xbf16, #tpu.memory_space<vmem>>, %arg3: memref<12x1024x128xbf16, #tpu.memory_space<vmem>>, %arg4: memref<12x1024x128xbf16, #tpu.memory_space<vmem>>, %arg5: memref<4096x17xf32, #tpu.memory_space<vmem>>, %arg6: memref<1536x128xbf16, #tpu.memory_space<vmem>>, %arg7: memref<24x128xf32, #tpu.memory_space<vmem>>, %arg8: memref<1x128xf32, #tpu.memory_space<vmem>>, %arg9: memref<128x128xf32, #tpu.memory_space<vmem>>, %arg10: memref<1x128xf32, #tpu.memory_space<vmem>>, %arg11: memref<128x32xf32, #tpu.memory_space<vmem>>, %arg12: memref<1x32xf32, #tpu.memory_space<vmem>>, %arg13: memref<4096x128xf32, #tpu.memory_space<vmem>>) attributes {dimension_semantics = [#tpu.dimension_semantics<arbitrary>], iteration_bounds = array<i64: 4>, scalar_prefetch = 0 : i64, scratch_operands = 0 : i64, tpu.core_type = #tpu.core_type<tc>, window_params = [{transform_indices = @transform_0, window_bounds = array<i64: 12, 1024, 128>}, {transform_indices = @transform_1, window_bounds = array<i64: 12, 1024, 128>}, {transform_indices = @transform_2, window_bounds = array<i64: 12, 1024, 128>}, {transform_indices = @transform_3, window_bounds = array<i64: 12, 1024, 128>}, {transform_indices = @transform_4, window_bounds = array<i64: 4096, 17>}, {pipeline_mode = #tpu.pipeline_mode<synchronous>, transform_indices = @transform_5, window_bounds = array<i64: 1536, 128>}, {pipeline_mode = #tpu.pipeline_mode<synchronous>, transform_indices = @transform_6, window_bounds = array<i64: 24, 128>}, {pipeline_mode = #tpu.pipeline_mode<synchronous>, transform_indices = @transform_7, window_bounds = array<i64: 1, 128>}, {pipeline_mode = #tpu.pipeline_mode<synchronous>, transform_indices = @transform_8, window_bounds = array<i64: 128, 128>}, {pipeline_mode = #tpu.pipeline_mode<synchronous>, transform_indices = @transform_9, window_bounds = array<i64: 1, 128>}, {pipeline_mode = #tpu.pipeline_mode<synchronous>, transform_indices = @transform_10, window_bounds = array<i64: 128, 32>}, {pipeline_mode = #tpu.pipeline_mode<synchronous>, transform_indices = @transform_11, window_bounds = array<i64: 1, 32>}, {transform_indices = @transform_12, window_bounds = array<i64: 4096, 128>}]} {
    %get3A = arith.constant 0 : index
    %get3A_0 = arith.constant 0 : index
    %get3A_1 = vector.load %arg5[%get3A, %get3A_0] : memref<4096x17xf32, #tpu.memory_space<vmem>>, vector<1024x17xf32>
    %get3A_2 = arith.constant 0 : index
    %get3A_3 = arith.constant 0 : index
    %get3A_4 = arith.constant 0 : index
    %get3A_5 = vector.load %arg1[%get3A_2, %get3A_3, %get3A_4] : memref<12x1024x128xbf16, #tpu.memory_space<vmem>>, vector<1x1024x128xbf16>
    %get3A_6 = vector.shape_cast %get3A_5 : vector<1x1024x128xbf16> to vector<1024x128xbf16>
    %get3A_7 = arith.constant 0 : index
    %get3A_8 = arith.constant 0 : index
    %get3A_9 = vector.load %arg6[%get3A_7, %get3A_8] : memref<1536x128xbf16, #tpu.memory_space<vmem>>, vector<128x128xbf16>
    %dot_general3A = arith.constant dense<0.000000e+00> : vector<1024x128xf32>
    %dot_general3A_10 = tpu.matmul %get3A_6, %get3A_9, %dot_general3A {dimension_numbers = #tpu.dot_dimension_numbers<[1], [0], [0], [1], [0, 0, 1, 1], [], []>, transpose_lhs_hint = false} : vector<1024x128xbf16>, vector<128x128xbf16>, vector<1024x128xf32> -> vector<1024x128xf32>
    %get3A_11 = arith.constant 1 : index
    %get3A_12 = arith.constant 0 : index
    %get3A_13 = arith.constant 0 : index
    %get3A_14 = vector.load %arg1[%get3A_11, %get3A_12, %get3A_13] : memref<12x1024x128xbf16, #tpu.memory_space<vmem>>, vector<1x1024x128xbf16>
    %get3A_15 = vector.shape_cast %get3A_14 : vector<1x1024x128xbf16> to vector<1024x128xbf16>
    %get3A_16 = arith.constant 128 : index
    %get3A_17 = arith.constant 0 : index
    %get3A_18 = vector.load %arg6[%get3A_16, %get3A_17] : memref<1536x128xbf16, #tpu.memory_space<vmem>>, vector<128x128xbf16>
    %dot_general3A_19 = arith.constant dense<0.000000e+00> : vector<1024x128xf32>
    %dot_general3A_20 = tpu.matmul %get3A_15, %get3A_18, %dot_general3A_19 {dimension_numbers = #tpu.dot_dimension_numbers<[1], [0], [0], [1], [0, 0, 1, 1], [], []>, transpose_lhs_hint = false} : vector<1024x128xbf16>, vector<128x128xbf16>, vector<1024x128xf32> -> vector<1024x128xf32>
    %add3A = arith.addf %dot_general3A_10, %dot_general3A_20 : vector<1024x128xf32>
    %get3A_21 = arith.constant 2 : index
    %get3A_22 = arith.constant 0 : index
    %get3A_23 = arith.constant 0 : index
    %get3A_24 = vector.load %arg1[%get3A_21, %get3A_22, %get3A_23] : memref<12x1024x128xbf16, #tpu.memory_space<vmem>>, vector<1x1024x128xbf16>
    %get3A_25 = vector.shape_cast %get3A_24 : vector<1x1024x128xbf16> to vector<1024x128xbf16>
    %get3A_26 = arith.constant 256 : index
    %get3A_27 = arith.constant 0 : index
    %get3A_28 = vector.load %arg6[%get3A_26, %get3A_27] : memref<1536x128xbf16, #tpu.memory_space<vmem>>, vector<128x128xbf16>
    %dot_general3A_29 = arith.constant dense<0.000000e+00> : vector<1024x128xf32>
    %dot_general3A_30 = tpu.matmul %get3A_25, %get3A_28, %dot_general3A_29 {dimension_numbers = #tpu.dot_dimension_numbers<[1], [0], [0], [1], [0, 0, 1, 1], [], []>, transpose_lhs_hint = false} : vector<1024x128xbf16>, vector<128x128xbf16>, vector<1024x128xf32> -> vector<1024x128xf32>
    %add3A_31 = arith.addf %add3A, %dot_general3A_30 : vector<1024x128xf32>
    %get3A_32 = arith.constant 3 : index
    %get3A_33 = arith.constant 0 : index
    %get3A_34 = arith.constant 0 : index
    %get3A_35 = vector.load %arg1[%get3A_32, %get3A_33, %get3A_34] : memref<12x1024x128xbf16, #tpu.memory_space<vmem>>, vector<1x1024x128xbf16>
    %get3A_36 = vector.shape_cast %get3A_35 : vector<1x1024x128xbf16> to vector<1024x128xbf16>
    %get3A_37 = arith.constant 384 : index
    %get3A_38 = arith.constant 0 : index
    %get3A_39 = vector.load %arg6[%get3A_37, %get3A_38] : memref<1536x128xbf16, #tpu.memory_space<vmem>>, vector<128x128xbf16>
    %dot_general3A_40 = arith.constant dense<0.000000e+00> : vector<1024x128xf32>
    %dot_general3A_41 = tpu.matmul %get3A_36, %get3A_39, %dot_general3A_40 {dimension_numbers = #tpu.dot_dimension_numbers<[1], [0], [0], [1], [0, 0, 1, 1], [], []>, transpose_lhs_hint = false} : vector<1024x128xbf16>, vector<128x128xbf16>, vector<1024x128xf32> -> vector<1024x128xf32>
    %add3A_42 = arith.addf %add3A_31, %dot_general3A_41 : vector<1024x128xf32>
    %get3A_43 = arith.constant 4 : index
    %get3A_44 = arith.constant 0 : index
    %get3A_45 = arith.constant 0 : index
    %get3A_46 = vector.load %arg1[%get3A_43, %get3A_44, %get3A_45] : memref<12x1024x128xbf16, #tpu.memory_space<vmem>>, vector<1x1024x128xbf16>
    %get3A_47 = vector.shape_cast %get3A_46 : vector<1x1024x128xbf16> to vector<1024x128xbf16>
    %get3A_48 = arith.constant 512 : index
    %get3A_49 = arith.constant 0 : index
    %get3A_50 = vector.load %arg6[%get3A_48, %get3A_49] : memref<1536x128xbf16, #tpu.memory_space<vmem>>, vector<128x128xbf16>
    %dot_general3A_51 = arith.constant dense<0.000000e+00> : vector<1024x128xf32>
    %dot_general3A_52 = tpu.matmul %get3A_47, %get3A_50, %dot_general3A_51 {dimension_numbers = #tpu.dot_dimension_numbers<[1], [0], [0], [1], [0, 0, 1, 1], [], []>, transpose_lhs_hint = false} : vector<1024x128xbf16>, vector<128x128xbf16>, vector<1024x128xf32> -> vector<1024x128xf32>
    %add3A_53 = arith.addf %add3A_42, %dot_general3A_52 : vector<1024x128xf32>
    %get3A_54 = arith.constant 5 : index
    %get3A_55 = arith.constant 0 : index
    %get3A_56 = arith.constant 0 : index
    %get3A_57 = vector.load %arg1[%get3A_54, %get3A_55, %get3A_56] : memref<12x1024x128xbf16, #tpu.memory_space<vmem>>, vector<1x1024x128xbf16>
    %get3A_58 = vector.shape_cast %get3A_57 : vector<1x1024x128xbf16> to vector<1024x128xbf16>
    %get3A_59 = arith.constant 640 : index
    %get3A_60 = arith.constant 0 : index
    %get3A_61 = vector.load %arg6[%get3A_59, %get3A_60] : memref<1536x128xbf16, #tpu.memory_space<vmem>>, vector<128x128xbf16>
    %dot_general3A_62 = arith.constant dense<0.000000e+00> : vector<1024x128xf32>
    %dot_general3A_63 = tpu.matmul %get3A_58, %get3A_61, %dot_general3A_62 {dimension_numbers = #tpu.dot_dimension_numbers<[1], [0], [0], [1], [0, 0, 1, 1], [], []>, transpose_lhs_hint = false} : vector<1024x128xbf16>, vector<128x128xbf16>, vector<1024x128xf32> -> vector<1024x128xf32>
    %add3A_64 = arith.addf %add3A_53, %dot_general3A_63 : vector<1024x128xf32>
    %get3A_65 = arith.constant 6 : index
    %get3A_66 = arith.constant 0 : index
    %get3A_67 = arith.constant 0 : index
    %get3A_68 = vector.load %arg1[%get3A_65, %get3A_66, %get3A_67] : memref<12x1024x128xbf16, #tpu.memory_space<vmem>>, vector<1x1024x128xbf16>
    %get3A_69 = vector.shape_cast %get3A_68 : vector<1x1024x128xbf16> to vector<1024x128xbf16>
    %get3A_70 = arith.constant 768 : index
    %get3A_71 = arith.constant 0 : index
    %get3A_72 = vector.load %arg6[%get3A_70, %get3A_71] : memref<1536x128xbf16, #tpu.memory_space<vmem>>, vector<128x128xbf16>
    %dot_general3A_73 = arith.constant dense<0.000000e+00> : vector<1024x128xf32>
    %dot_general3A_74 = tpu.matmul %get3A_69, %get3A_72, %dot_general3A_73 {dimension_numbers = #tpu.dot_dimension_numbers<[1], [0], [0], [1], [0, 0, 1, 1], [], []>, transpose_lhs_hint = false} : vector<1024x128xbf16>, vector<128x128xbf16>, vector<1024x128xf32> -> vector<1024x128xf32>
    %add3A_75 = arith.addf %add3A_64, %dot_general3A_74 : vector<1024x128xf32>
    %get3A_76 = arith.constant 7 : index
    %get3A_77 = arith.constant 0 : index
    %get3A_78 = arith.constant 0 : index
    %get3A_79 = vector.load %arg1[%get3A_76, %get3A_77, %get3A_78] : memref<12x1024x128xbf16, #tpu.memory_space<vmem>>, vector<1x1024x128xbf16>
    %get3A_80 = vector.shape_cast %get3A_79 : vector<1x1024x128xbf16> to vector<1024x128xbf16>
    %get3A_81 = arith.constant 896 : index
    %get3A_82 = arith.constant 0 : index
    %get3A_83 = vector.load %arg6[%get3A_81, %get3A_82] : memref<1536x128xbf16, #tpu.memory_space<vmem>>, vector<128x128xbf16>
    %dot_general3A_84 = arith.constant dense<0.000000e+00> : vector<1024x128xf32>
    %dot_general3A_85 = tpu.matmul %get3A_80, %get3A_83, %dot_general3A_84 {dimension_numbers = #tpu.dot_dimension_numbers<[1], [0], [0], [1], [0, 0, 1, 1], [], []>, transpose_lhs_hint = false} : vector<1024x128xbf16>, vector<128x128xbf16>, vector<1024x128xf32> -> vector<1024x128xf32>
    %add3A_86 = arith.addf %add3A_75, %dot_general3A_85 : vector<1024x128xf32>
    %get3A_87 = arith.constant 8 : index
    %get3A_88 = arith.constant 0 : index
    %get3A_89 = arith.constant 0 : index
    %get3A_90 = vector.load %arg1[%get3A_87, %get3A_88, %get3A_89] : memref<12x1024x128xbf16, #tpu.memory_space<vmem>>, vector<1x1024x128xbf16>
    %get3A_91 = vector.shape_cast %get3A_90 : vector<1x1024x128xbf16> to vector<1024x128xbf16>
    %get3A_92 = arith.constant 1024 : index
    %get3A_93 = arith.constant 0 : index
    %get3A_94 = vector.load %arg6[%get3A_92, %get3A_93] : memref<1536x128xbf16, #tpu.memory_space<vmem>>, vector<128x128xbf16>
    %dot_general3A_95 = arith.constant dense<0.000000e+00> : vector<1024x128xf32>
    %dot_general3A_96 = tpu.matmul %get3A_91, %get3A_94, %dot_general3A_95 {dimension_numbers = #tpu.dot_dimension_numbers<[1], [0], [0], [1], [0, 0, 1, 1], [], []>, transpose_lhs_hint = false} : vector<1024x128xbf16>, vector<128x128xbf16>, vector<1024x128xf32> -> vector<1024x128xf32>
    %add3A_97 = arith.addf %add3A_86, %dot_general3A_96 : vector<1024x128xf32>
    %get3A_98 = arith.constant 9 : index
    %get3A_99 = arith.constant 0 : index
    %get3A_100 = arith.constant 0 : index
    %get3A_101 = vector.load %arg1[%get3A_98, %get3A_99, %get3A_100] : memref<12x1024x128xbf16, #tpu.memory_space<vmem>>, vector<1x1024x128xbf16>
    %get3A_102 = vector.shape_cast %get3A_101 : vector<1x1024x128xbf16> to vector<1024x128xbf16>
    %get3A_103 = arith.constant 1152 : index
    %get3A_104 = arith.constant 0 : index
    %get3A_105 = vector.load %arg6[%get3A_103, %get3A_104] : memref<1536x128xbf16, #tpu.memory_space<vmem>>, vector<128x128xbf16>
    %dot_general3A_106 = arith.constant dense<0.000000e+00> : vector<1024x128xf32>
    %dot_general3A_107 = tpu.matmul %get3A_102, %get3A_105, %dot_general3A_106 {dimension_numbers = #tpu.dot_dimension_numbers<[1], [0], [0], [1], [0, 0, 1, 1], [], []>, transpose_lhs_hint = false} : vector<1024x128xbf16>, vector<128x128xbf16>, vector<1024x128xf32> -> vector<1024x128xf32>
    %add3A_108 = arith.addf %add3A_97, %dot_general3A_107 : vector<1024x128xf32>
    %get3A_109 = arith.constant 10 : index
    %get3A_110 = arith.constant 0 : index
    %get3A_111 = arith.constant 0 : index
    %get3A_112 = vector.load %arg1[%get3A_109, %get3A_110, %get3A_111] : memref<12x1024x128xbf16, #tpu.memory_space<vmem>>, vector<1x1024x128xbf16>
    %get3A_113 = vector.shape_cast %get3A_112 : vector<1x1024x128xbf16> to vector<1024x128xbf16>
    %get3A_114 = arith.constant 1280 : index
    %get3A_115 = arith.constant 0 : index
    %get3A_116 = vector.load %arg6[%get3A_114, %get3A_115] : memref<1536x128xbf16, #tpu.memory_space<vmem>>, vector<128x128xbf16>
    %dot_general3A_117 = arith.constant dense<0.000000e+00> : vector<1024x128xf32>
    %dot_general3A_118 = tpu.matmul %get3A_113, %get3A_116, %dot_general3A_117 {dimension_numbers = #tpu.dot_dimension_numbers<[1], [0], [0], [1], [0, 0, 1, 1], [], []>, transpose_lhs_hint = false} : vector<1024x128xbf16>, vector<128x128xbf16>, vector<1024x128xf32> -> vector<1024x128xf32>
    %add3A_119 = arith.addf %add3A_108, %dot_general3A_118 : vector<1024x128xf32>
    %get3A_120 = arith.constant 11 : index
    %get3A_121 = arith.constant 0 : index
    %get3A_122 = arith.constant 0 : index
    %get3A_123 = vector.load %arg1[%get3A_120, %get3A_121, %get3A_122] : memref<12x1024x128xbf16, #tpu.memory_space<vmem>>, vector<1x1024x128xbf16>
    %get3A_124 = vector.shape_cast %get3A_123 : vector<1x1024x128xbf16> to vector<1024x128xbf16>
    %get3A_125 = arith.constant 1408 : index
    %get3A_126 = arith.constant 0 : index
    %get3A_127 = vector.load %arg6[%get3A_125, %get3A_126] : memref<1536x128xbf16, #tpu.memory_space<vmem>>, vector<128x128xbf16>
    %dot_general3A_128 = arith.constant dense<0.000000e+00> : vector<1024x128xf32>
    %dot_general3A_129 = tpu.matmul %get3A_124, %get3A_127, %dot_general3A_128 {dimension_numbers = #tpu.dot_dimension_numbers<[1], [0], [0], [1], [0, 0, 1, 1], [], []>, transpose_lhs_hint = false} : vector<1024x128xbf16>, vector<128x128xbf16>, vector<1024x128xf32> -> vector<1024x128xf32>
    %add3A_130 = arith.addf %add3A_119, %dot_general3A_129 : vector<1024x128xf32>
    %get3A_131 = arith.constant 0 : index
    %get3A_132 = arith.constant 0 : index
    %get3A_133 = vector.load %arg7[%get3A_131, %get3A_132] : memref<24x128xf32, #tpu.memory_space<vmem>>, vector<17x128xf32>
    %dot_general3A_134 = arith.constant dense<0.000000e+00> : vector<1024x128xf32>
    %dot_general3A_135 = tpu.matmul %get3A_1, %get3A_133, %dot_general3A_134 {dimension_numbers = #tpu.dot_dimension_numbers<[1], [0], [0], [1], [0, 0, 1, 1], [], []>, transpose_lhs_hint = false} : vector<1024x17xf32>, vector<17x128xf32>, vector<1024x128xf32> -> vector<1024x128xf32>
    %add3A_136 = arith.addf %add3A_130, %dot_general3A_135 : vector<1024x128xf32>
    %get3A_137 = arith.constant 0 : index
    %get3A_138 = arith.constant 0 : index
    %get3A_139 = vector.load %arg8[%get3A_137, %get3A_138] : memref<1x128xf32, #tpu.memory_space<vmem>>, vector<1x128xf32>
    %add3A_140 = vector.broadcast %get3A_139 : vector<1x128xf32> to vector<1024x128xf32>
    %add3A_141 = arith.addf %add3A_136, %add3A_140 : vector<1024x128xf32>
    %tanh3A = math.tanh %add3A_141 : vector<1024x128xf32>
    %get3A_142 = arith.constant 0 : index
    %get3A_143 = arith.constant 0 : index
    %get3A_144 = vector.load %arg9[%get3A_142, %get3A_143] : memref<128x128xf32, #tpu.memory_space<vmem>>, vector<128x128xf32>
    %dot_general3A_145 = arith.constant dense<0.000000e+00> : vector<1024x128xf32>
    %dot_general3A_146 = tpu.matmul %tanh3A, %get3A_144, %dot_general3A_145 {dimension_numbers = #tpu.dot_dimension_numbers<[1], [0], [0], [1], [0, 0, 1, 1], [], []>, transpose_lhs_hint = false} : vector<1024x128xf32>, vector<128x128xf32>, vector<1024x128xf32> -> vector<1024x128xf32>
    %get3A_147 = arith.constant 0 : index
    %get3A_148 = arith.constant 0 : index
    %get3A_149 = vector.load %arg10[%get3A_147, %get3A_148] : memref<1x128xf32, #tpu.memory_space<vmem>>, vector<1x128xf32>
    %add3A_150 = vector.broadcast %get3A_149 : vector<1x128xf32> to vector<1024x128xf32>
    %add3A_151 = arith.addf %dot_general3A_146, %add3A_150 : vector<1024x128xf32>
    %tanh3A_152 = math.tanh %add3A_151 : vector<1024x128xf32>
    %get3A_153 = arith.constant 0 : index
    %get3A_154 = arith.constant 0 : index
    %get3A_155 = vector.load %arg11[%get3A_153, %get3A_154] : memref<128x32xf32, #tpu.memory_space<vmem>>, vector<128x32xf32>
    %dot_general3A_156 = arith.constant dense<0.000000e+00> : vector<1024x32xf32>
    %dot_general3A_157 = tpu.matmul %tanh3A_152, %get3A_155, %dot_general3A_156 {dimension_numbers = #tpu.dot_dimension_numbers<[1], [0], [0], [1], [0, 0, 1, 1], [], []>, transpose_lhs_hint = false} : vector<1024x128xf32>, vector<128x32xf32>, vector<1024x32xf32> -> vector<1024x32xf32>
    %get3A_158 = arith.constant 0 : index
    %get3A_159 = arith.constant 0 : index
    %get3A_160 = vector.load %arg12[%get3A_158, %get3A_159] : memref<1x32xf32, #tpu.memory_space<vmem>>, vector<1x32xf32>
    %add3A_161 = vector.broadcast %get3A_160 : vector<1x32xf32> to vector<1024x32xf32>
    %add3A_162 = arith.addf %dot_general3A_157, %add3A_161 : vector<1024x32xf32>
    %swap3A = arith.constant 0 : index
    %swap3A_163 = arith.constant 0 : index
    %swap3A_164 = vector.load %arg13[%swap3A, %swap3A_163] : memref<4096x128xf32, #tpu.memory_space<vmem>>, vector<1024x32xf32>
    tpu.vector_store %arg13[%swap3A, %swap3A_163], %add3A_162 {strides = array<i32>} : memref<4096x128xf32, #tpu.memory_space<vmem>>, vector<1024x32xf32>,
    %slice3A = vector.extract_strided_slice %get3A_1 {offsets = [0, 16], sizes = [1024, 1], strides = [1, 1]} : vector<1024x17xf32> to vector<1024x1xf32>
    %swap3A_165 = arith.constant 0 : index
    %swap3A_166 = arith.constant 18 : index
    %swap3A_167 = vector.load %arg13[%swap3A_165, %swap3A_166] : memref<4096x128xf32, #tpu.memory_space<vmem>>, vector<1024x1xf32>
    tpu.vector_store %arg13[%swap3A_165, %swap3A_166], %slice3A {strides = array<i32>} : memref<4096x128xf32, #tpu.memory_space<vmem>>, vector<1024x1xf32>,
    %get3A_168 = arith.constant 1024 : index
    %get3A_169 = arith.constant 0 : index
    %get3A_170 = vector.load %arg5[%get3A_168, %get3A_169] : memref<4096x17xf32, #tpu.memory_space<vmem>>, vector<1024x17xf32>
    %get3A_171 = arith.constant 0 : index
    %get3A_172 = arith.constant 0 : index
    %get3A_173 = arith.constant 0 : index
    %get3A_174 = vector.load %arg2[%get3A_171, %get3A_172, %get3A_173] : memref<12x1024x128xbf16, #tpu.memory_space<vmem>>, vector<1x1024x128xbf16>
    %get3A_175 = vector.shape_cast %get3A_174 : vector<1x1024x128xbf16> to vector<1024x128xbf16>
    %get3A_176 = arith.constant 0 : index
    %get3A_177 = arith.constant 0 : index
    %get3A_178 = vector.load %arg6[%get3A_176, %get3A_177] : memref<1536x128xbf16, #tpu.memory_space<vmem>>, vector<128x128xbf16>
    %dot_general3A_179 = arith.constant dense<0.000000e+00> : vector<1024x128xf32>
    %dot_general3A_180 = tpu.matmul %get3A_175, %get3A_178, %dot_general3A_179 {dimension_numbers = #tpu.dot_dimension_numbers<[1], [0], [0], [1], [0, 0, 1, 1], [], []>, transpose_lhs_hint = false} : vector<1024x128xbf16>, vector<128x128xbf16>, vector<1024x128xf32> -> vector<1024x128xf32>
    %get3A_181 = arith.constant 1 : index
    %get3A_182 = arith.constant 0 : index
    %get3A_183 = arith.constant 0 : index
    %get3A_184 = vector.load %arg2[%get3A_181, %get3A_182, %get3A_183] : memref<12x1024x128xbf16, #tpu.memory_space<vmem>>, vector<1x1024x128xbf16>
    %get3A_185 = vector.shape_cast %get3A_184 : vector<1x1024x128xbf16> to vector<1024x128xbf16>
    %get3A_186 = arith.constant 128 : index
    %get3A_187 = arith.constant 0 : index
    %get3A_188 = vector.load %arg6[%get3A_186, %get3A_187] : memref<1536x128xbf16, #tpu.memory_space<vmem>>, vector<128x128xbf16>
    %dot_general3A_189 = arith.constant dense<0.000000e+00> : vector<1024x128xf32>
    %dot_general3A_190 = tpu.matmul %get3A_185, %get3A_188, %dot_general3A_189 {dimension_numbers = #tpu.dot_dimension_numbers<[1], [0], [0], [1], [0, 0, 1, 1], [], []>, transpose_lhs_hint = false} : vector<1024x128xbf16>, vector<128x128xbf16>, vector<1024x128xf32> -> vector<1024x128xf32>
    %add3A_191 = arith.addf %dot_general3A_180, %dot_general3A_190 : vector<1024x128xf32>
    %get3A_192 = arith.constant 2 : index
    %get3A_193 = arith.constant 0 : index
    %get3A_194 = arith.constant 0 : index
    %get3A_195 = vector.load %arg2[%get3A_192, %get3A_193, %get3A_194] : memref<12x1024x128xbf16, #tpu.memory_space<vmem>>, vector<1x1024x128xbf16>
    %get3A_196 = vector.shape_cast %get3A_195 : vector<1x1024x128xbf16> to vector<1024x128xbf16>
    %get3A_197 = arith.constant 256 : index
    %get3A_198 = arith.constant 0 : index
    %get3A_199 = vector.load %arg6[%get3A_197, %get3A_198] : memref<1536x128xbf16, #tpu.memory_space<vmem>>, vector<128x128xbf16>
    %dot_general3A_200 = arith.constant dense<0.000000e+00> : vector<1024x128xf32>
    %dot_general3A_201 = tpu.matmul %get3A_196, %get3A_199, %dot_general3A_200 {dimension_numbers = #tpu.dot_dimension_numbers<[1], [0], [0], [1], [0, 0, 1, 1], [], []>, transpose_lhs_hint = false} : vector<1024x128xbf16>, vector<128x128xbf16>, vector<1024x128xf32> -> vector<1024x128xf32>
    %add3A_202 = arith.addf %add3A_191, %dot_general3A_201 : vector<1024x128xf32>
    %get3A_203 = arith.constant 3 : index
    %get3A_204 = arith.constant 0 : index
    %get3A_205 = arith.constant 0 : index
    %get3A_206 = vector.load %arg2[%get3A_203, %get3A_204, %get3A_205] : memref<12x1024x128xbf16, #tpu.memory_space<vmem>>, vector<1x1024x128xbf16>
    %get3A_207 = vector.shape_cast %get3A_206 : vector<1x1024x128xbf16> to vector<1024x128xbf16>
    %get3A_208 = arith.constant 384 : index
    %get3A_209 = arith.constant 0 : index
    %get3A_210 = vector.load %arg6[%get3A_208, %get3A_209] : memref<1536x128xbf16, #tpu.memory_space<vmem>>, vector<128x128xbf16>
    %dot_general3A_211 = arith.constant dense<0.000000e+00> : vector<1024x128xf32>
    %dot_general3A_212 = tpu.matmul %get3A_207, %get3A_210, %dot_general3A_211 {dimension_numbers = #tpu.dot_dimension_numbers<[1], [0], [0], [1], [0, 0, 1, 1], [], []>, transpose_lhs_hint = false} : vector<1024x128xbf16>, vector<128x128xbf16>, vector<1024x128xf32> -> vector<1024x128xf32>
    %add3A_213 = arith.addf %add3A_202, %dot_general3A_212 : vector<1024x128xf32>
    %get3A_214 = arith.constant 4 : index
    %get3A_215 = arith.constant 0 : index
    %get3A_216 = arith.constant 0 : index
    %get3A_217 = vector.load %arg2[%get3A_214, %get3A_215, %get3A_216] : memref<12x1024x128xbf16, #tpu.memory_space<vmem>>, vector<1x1024x128xbf16>
    %get3A_218 = vector.shape_cast %get3A_217 : vector<1x1024x128xbf16> to vector<1024x128xbf16>
    %get3A_219 = arith.constant 512 : index
    %get3A_220 = arith.constant 0 : index
    %get3A_221 = vector.load %arg6[%get3A_219, %get3A_220] : memref<1536x128xbf16, #tpu.memory_space<vmem>>, vector<128x128xbf16>
    %dot_general3A_222 = arith.constant dense<0.000000e+00> : vector<1024x128xf32>
    %dot_general3A_223 = tpu.matmul %get3A_218, %get3A_221, %dot_general3A_222 {dimension_numbers = #tpu.dot_dimension_numbers<[1], [0], [0], [1], [0, 0, 1, 1], [], []>, transpose_lhs_hint = false} : vector<1024x128xbf16>, vector<128x128xbf16>, vector<1024x128xf32> -> vector<1024x128xf32>
    %add3A_224 = arith.addf %add3A_213, %dot_general3A_223 : vector<1024x128xf32>
    %get3A_225 = arith.constant 5 : index
    %get3A_226 = arith.constant 0 : index
    %get3A_227 = arith.constant 0 : index
    %get3A_228 = vector.load %arg2[%get3A_225, %get3A_226, %get3A_227] : memref<12x1024x128xbf16, #tpu.memory_space<vmem>>, vector<1x1024x128xbf16>
    %get3A_229 = vector.shape_cast %get3A_228 : vector<1x1024x128xbf16> to vector<1024x128xbf16>
    %get3A_230 = arith.constant 640 : index
    %get3A_231 = arith.constant 0 : index
    %get3A_232 = vector.load %arg6[%get3A_230, %get3A_231] : memref<1536x128xbf16, #tpu.memory_space<vmem>>, vector<128x128xbf16>
    %dot_general3A_233 = arith.constant dense<0.000000e+00> : vector<1024x128xf32>
    %dot_general3A_234 = tpu.matmul %get3A_229, %get3A_232, %dot_general3A_233 {dimension_numbers = #tpu.dot_dimension_numbers<[1], [0], [0], [1], [0, 0, 1, 1], [], []>, transpose_lhs_hint = false} : vector<1024x128xbf16>, vector<128x128xbf16>, vector<1024x128xf32> -> vector<1024x128xf32>
    %add3A_235 = arith.addf %add3A_224, %dot_general3A_234 : vector<1024x128xf32>
    %get3A_236 = arith.constant 6 : index
    %get3A_237 = arith.constant 0 : index
    %get3A_238 = arith.constant 0 : index
    %get3A_239 = vector.load %arg2[%get3A_236, %get3A_237, %get3A_238] : memref<12x1024x128xbf16, #tpu.memory_space<vmem>>, vector<1x1024x128xbf16>
    %get3A_240 = vector.shape_cast %get3A_239 : vector<1x1024x128xbf16> to vector<1024x128xbf16>
    %get3A_241 = arith.constant 768 : index
    %get3A_242 = arith.constant 0 : index
    %get3A_243 = vector.load %arg6[%get3A_241, %get3A_242] : memref<1536x128xbf16, #tpu.memory_space<vmem>>, vector<128x128xbf16>
    %dot_general3A_244 = arith.constant dense<0.000000e+00> : vector<1024x128xf32>
    %dot_general3A_245 = tpu.matmul %get3A_240, %get3A_243, %dot_general3A_244 {dimension_numbers = #tpu.dot_dimension_numbers<[1], [0], [0], [1], [0, 0, 1, 1], [], []>, transpose_lhs_hint = false} : vector<1024x128xbf16>, vector<128x128xbf16>, vector<1024x128xf32> -> vector<1024x128xf32>
    %add3A_246 = arith.addf %add3A_235, %dot_general3A_245 : vector<1024x128xf32>
    %get3A_247 = arith.constant 7 : index
    %get3A_248 = arith.constant 0 : index
    %get3A_249 = arith.constant 0 : index
    %get3A_250 = vector.load %arg2[%get3A_247, %get3A_248, %get3A_249] : memref<12x1024x128xbf16, #tpu.memory_space<vmem>>, vector<1x1024x128xbf16>
    %get3A_251 = vector.shape_cast %get3A_250 : vector<1x1024x128xbf16> to vector<1024x128xbf16>
    %get3A_252 = arith.constant 896 : index
    %get3A_253 = arith.constant 0 : index
    %get3A_254 = vector.load %arg6[%get3A_252, %get3A_253] : memref<1536x128xbf16, #tpu.memory_space<vmem>>, vector<128x128xbf16>
    %dot_general3A_255 = arith.constant dense<0.000000e+00> : vector<1024x128xf32>
    %dot_general3A_256 = tpu.matmul %get3A_251, %get3A_254, %dot_general3A_255 {dimension_numbers = #tpu.dot_dimension_numbers<[1], [0], [0], [1], [0, 0, 1, 1], [], []>, transpose_lhs_hint = false} : vector<1024x128xbf16>, vector<128x128xbf16>, vector<1024x128xf32> -> vector<1024x128xf32>
    %add3A_257 = arith.addf %add3A_246, %dot_general3A_256 : vector<1024x128xf32>
    %get3A_258 = arith.constant 8 : index
    %get3A_259 = arith.constant 0 : index
    %get3A_260 = arith.constant 0 : index
    %get3A_261 = vector.load %arg2[%get3A_258, %get3A_259, %get3A_260] : memref<12x1024x128xbf16, #tpu.memory_space<vmem>>, vector<1x1024x128xbf16>
    %get3A_262 = vector.shape_cast %get3A_261 : vector<1x1024x128xbf16> to vector<1024x128xbf16>
    %get3A_263 = arith.constant 1024 : index
    %get3A_264 = arith.constant 0 : index
    %get3A_265 = vector.load %arg6[%get3A_263, %get3A_264] : memref<1536x128xbf16, #tpu.memory_space<vmem>>, vector<128x128xbf16>
    %dot_general3A_266 = arith.constant dense<0.000000e+00> : vector<1024x128xf32>
    %dot_general3A_267 = tpu.matmul %get3A_262, %get3A_265, %dot_general3A_266 {dimension_numbers = #tpu.dot_dimension_numbers<[1], [0], [0], [1], [0, 0, 1, 1], [], []>, transpose_lhs_hint = false} : vector<1024x128xbf16>, vector<128x128xbf16>, vector<1024x128xf32> -> vector<1024x128xf32>
    %add3A_268 = arith.addf %add3A_257, %dot_general3A_267 : vector<1024x128xf32>
    %get3A_269 = arith.constant 9 : index
    %get3A_270 = arith.constant 0 : index
    %get3A_271 = arith.constant 0 : index
    %get3A_272 = vector.load %arg2[%get3A_269, %get3A_270, %get3A_271] : memref<12x1024x128xbf16, #tpu.memory_space<vmem>>, vector<1x1024x128xbf16>
    %get3A_273 = vector.shape_cast %get3A_272 : vector<1x1024x128xbf16> to vector<1024x128xbf16>
    %get3A_274 = arith.constant 1152 : index
    %get3A_275 = arith.constant 0 : index
    %get3A_276 = vector.load %arg6[%get3A_274, %get3A_275] : memref<1536x128xbf16, #tpu.memory_space<vmem>>, vector<128x128xbf16>
    %dot_general3A_277 = arith.constant dense<0.000000e+00> : vector<1024x128xf32>
    %dot_general3A_278 = tpu.matmul %get3A_273, %get3A_276, %dot_general3A_277 {dimension_numbers = #tpu.dot_dimension_numbers<[1], [0], [0], [1], [0, 0, 1, 1], [], []>, transpose_lhs_hint = false} : vector<1024x128xbf16>, vector<128x128xbf16>, vector<1024x128xf32> -> vector<1024x128xf32>
    %add3A_279 = arith.addf %add3A_268, %dot_general3A_278 : vector<1024x128xf32>
    %get3A_280 = arith.constant 10 : index
    %get3A_281 = arith.constant 0 : index
    %get3A_282 = arith.constant 0 : index
    %get3A_283 = vector.load %arg2[%get3A_280, %get3A_281, %get3A_282] : memref<12x1024x128xbf16, #tpu.memory_space<vmem>>, vector<1x1024x128xbf16>
    %get3A_284 = vector.shape_cast %get3A_283 : vector<1x1024x128xbf16> to vector<1024x128xbf16>
    %get3A_285 = arith.constant 1280 : index
    %get3A_286 = arith.constant 0 : index
    %get3A_287 = vector.load %arg6[%get3A_285, %get3A_286] : memref<1536x128xbf16, #tpu.memory_space<vmem>>, vector<128x128xbf16>
    %dot_general3A_288 = arith.constant dense<0.000000e+00> : vector<1024x128xf32>
    %dot_general3A_289 = tpu.matmul %get3A_284, %get3A_287, %dot_general3A_288 {dimension_numbers = #tpu.dot_dimension_numbers<[1], [0], [0], [1], [0, 0, 1, 1], [], []>, transpose_lhs_hint = false} : vector<1024x128xbf16>, vector<128x128xbf16>, vector<1024x128xf32> -> vector<1024x128xf32>
    %add3A_290 = arith.addf %add3A_279, %dot_general3A_289 : vector<1024x128xf32>
    %get3A_291 = arith.constant 11 : index
    %get3A_292 = arith.constant 0 : index
    %get3A_293 = arith.constant 0 : index
    %get3A_294 = vector.load %arg2[%get3A_291, %get3A_292, %get3A_293] : memref<12x1024x128xbf16, #tpu.memory_space<vmem>>, vector<1x1024x128xbf16>
    %get3A_295 = vector.shape_cast %get3A_294 : vector<1x1024x128xbf16> to vector<1024x128xbf16>
    %get3A_296 = arith.constant 1408 : index
    %get3A_297 = arith.constant 0 : index
    %get3A_298 = vector.load %arg6[%get3A_296, %get3A_297] : memref<1536x128xbf16, #tpu.memory_space<vmem>>, vector<128x128xbf16>
    %dot_general3A_299 = arith.constant dense<0.000000e+00> : vector<1024x128xf32>
    %dot_general3A_300 = tpu.matmul %get3A_295, %get3A_298, %dot_general3A_299 {dimension_numbers = #tpu.dot_dimension_numbers<[1], [0], [0], [1], [0, 0, 1, 1], [], []>, transpose_lhs_hint = false} : vector<1024x128xbf16>, vector<128x128xbf16>, vector<1024x128xf32> -> vector<1024x128xf32>
    %add3A_301 = arith.addf %add3A_290, %dot_general3A_300 : vector<1024x128xf32>
    %get3A_302 = arith.constant 0 : index
    %get3A_303 = arith.constant 0 : index
    %get3A_304 = vector.load %arg7[%get3A_302, %get3A_303] : memref<24x128xf32, #tpu.memory_space<vmem>>, vector<17x128xf32>
    %dot_general3A_305 = arith.constant dense<0.000000e+00> : vector<1024x128xf32>
    %dot_general3A_306 = tpu.matmul %get3A_170, %get3A_304, %dot_general3A_305 {dimension_numbers = #tpu.dot_dimension_numbers<[1], [0], [0], [1], [0, 0, 1, 1], [], []>, transpose_lhs_hint = false} : vector<1024x17xf32>, vector<17x128xf32>, vector<1024x128xf32> -> vector<1024x128xf32>
    %add3A_307 = arith.addf %add3A_301, %dot_general3A_306 : vector<1024x128xf32>
    %get3A_308 = arith.constant 0 : index
    %get3A_309 = arith.constant 0 : index
    %get3A_310 = vector.load %arg8[%get3A_308, %get3A_309] : memref<1x128xf32, #tpu.memory_space<vmem>>, vector<1x128xf32>
    %add3A_311 = vector.broadcast %get3A_310 : vector<1x128xf32> to vector<1024x128xf32>
    %add3A_312 = arith.addf %add3A_307, %add3A_311 : vector<1024x128xf32>
    %tanh3A_313 = math.tanh %add3A_312 : vector<1024x128xf32>
    %get3A_314 = arith.constant 0 : index
    %get3A_315 = arith.constant 0 : index
    %get3A_316 = vector.load %arg9[%get3A_314, %get3A_315] : memref<128x128xf32, #tpu.memory_space<vmem>>, vector<128x128xf32>
    %dot_general3A_317 = arith.constant dense<0.000000e+00> : vector<1024x128xf32>
    %dot_general3A_318 = tpu.matmul %tanh3A_313, %get3A_316, %dot_general3A_317 {dimension_numbers = #tpu.dot_dimension_numbers<[1], [0], [0], [1], [0, 0, 1, 1], [], []>, transpose_lhs_hint = false} : vector<1024x128xf32>, vector<128x128xf32>, vector<1024x128xf32> -> vector<1024x128xf32>
    %get3A_319 = arith.constant 0 : index
    %get3A_320 = arith.constant 0 : index
    %get3A_321 = vector.load %arg10[%get3A_319, %get3A_320] : memref<1x128xf32, #tpu.memory_space<vmem>>, vector<1x128xf32>
    %add3A_322 = vector.broadcast %get3A_321 : vector<1x128xf32> to vector<1024x128xf32>
    %add3A_323 = arith.addf %dot_general3A_318, %add3A_322 : vector<1024x128xf32>
    %tanh3A_324 = math.tanh %add3A_323 : vector<1024x128xf32>
    %get3A_325 = arith.constant 0 : index
    %get3A_326 = arith.constant 0 : index
    %get3A_327 = vector.load %arg11[%get3A_325, %get3A_326] : memref<128x32xf32, #tpu.memory_space<vmem>>, vector<128x32xf32>
    %dot_general3A_328 = arith.constant dense<0.000000e+00> : vector<1024x32xf32>
    %dot_general3A_329 = tpu.matmul %tanh3A_324, %get3A_327, %dot_general3A_328 {dimension_numbers = #tpu.dot_dimension_numbers<[1], [0], [0], [1], [0, 0, 1, 1], [], []>, transpose_lhs_hint = false} : vector<1024x128xf32>, vector<128x32xf32>, vector<1024x32xf32> -> vector<1024x32xf32>
    %get3A_330 = arith.constant 0 : index
    %get3A_331 = arith.constant 0 : index
    %get3A_332 = vector.load %arg12[%get3A_330, %get3A_331] : memref<1x32xf32, #tpu.memory_space<vmem>>, vector<1x32xf32>
    %add3A_333 = vector.broadcast %get3A_332 : vector<1x32xf32> to vector<1024x32xf32>
    %add3A_334 = arith.addf %dot_general3A_329, %add3A_333 : vector<1024x32xf32>
    %swap3A_335 = arith.constant 1024 : index
    %swap3A_336 = arith.constant 0 : index
    %swap3A_337 = vector.load %arg13[%swap3A_335, %swap3A_336] : memref<4096x128xf32, #tpu.memory_space<vmem>>, vector<1024x32xf32>
    tpu.vector_store %arg13[%swap3A_335, %swap3A_336], %add3A_334 {strides = array<i32>} : memref<4096x128xf32, #tpu.memory_space<vmem>>, vector<1024x32xf32>,
    %slice3A_338 = vector.extract_strided_slice %get3A_170 {offsets = [0, 16], sizes = [1024, 1], strides = [1, 1]} : vector<1024x17xf32> to vector<1024x1xf32>
    %swap3A_339 = arith.constant 1024 : index
    %swap3A_340 = arith.constant 18 : index
    %swap3A_341 = vector.load %arg13[%swap3A_339, %swap3A_340] : memref<4096x128xf32, #tpu.memory_space<vmem>>, vector<1024x1xf32>
    tpu.vector_store %arg13[%swap3A_339, %swap3A_340], %slice3A_338 {strides = array<i32>} : memref<4096x128xf32, #tpu.memory_space<vmem>>, vector<1024x1xf32>,
    %get3A_342 = arith.constant 2048 : index
    %get3A_343 = arith.constant 0 : index
    %get3A_344 = vector.load %arg5[%get3A_342, %get3A_343] : memref<4096x17xf32, #tpu.memory_space<vmem>>, vector<1024x17xf32>
    %get3A_345 = arith.constant 0 : index
    %get3A_346 = arith.constant 0 : index
    %get3A_347 = arith.constant 0 : index
    %get3A_348 = vector.load %arg3[%get3A_345, %get3A_346, %get3A_347] : memref<12x1024x128xbf16, #tpu.memory_space<vmem>>, vector<1x1024x128xbf16>
    %get3A_349 = vector.shape_cast %get3A_348 : vector<1x1024x128xbf16> to vector<1024x128xbf16>
    %get3A_350 = arith.constant 0 : index
    %get3A_351 = arith.constant 0 : index
    %get3A_352 = vector.load %arg6[%get3A_350, %get3A_351] : memref<1536x128xbf16, #tpu.memory_space<vmem>>, vector<128x128xbf16>
    %dot_general3A_353 = arith.constant dense<0.000000e+00> : vector<1024x128xf32>
    %dot_general3A_354 = tpu.matmul %get3A_349, %get3A_352, %dot_general3A_353 {dimension_numbers = #tpu.dot_dimension_numbers<[1], [0], [0], [1], [0, 0, 1, 1], [], []>, transpose_lhs_hint = false} : vector<1024x128xbf16>, vector<128x128xbf16>, vector<1024x128xf32> -> vector<1024x128xf32>
    %get3A_355 = arith.constant 1 : index
    %get3A_356 = arith.constant 0 : index
    %get3A_357 = arith.constant 0 : index
    %get3A_358 = vector.load %arg3[%get3A_355, %get3A_356, %get3A_357] : memref<12x1024x128xbf16, #tpu.memory_space<vmem>>, vector<1x1024x128xbf16>
    %get3A_359 = vector.shape_cast %get3A_358 : vector<1x1024x128xbf16> to vector<1024x128xbf16>
    %get3A_360 = arith.constant 128 : index
    %get3A_361 = arith.constant 0 : index
    %get3A_362 = vector.load %arg6[%get3A_360, %get3A_361] : memref<1536x128xbf16, #tpu.memory_space<vmem>>, vector<128x128xbf16>
    %dot_general3A_363 = arith.constant dense<0.000000e+00> : vector<1024x128xf32>
    %dot_general3A_364 = tpu.matmul %get3A_359, %get3A_362, %dot_general3A_363 {dimension_numbers = #tpu.dot_dimension_numbers<[1], [0], [0], [1], [0, 0, 1, 1], [], []>, transpose_lhs_hint = false} : vector<1024x128xbf16>, vector<128x128xbf16>, vector<1024x128xf32> -> vector<1024x128xf32>
    %add3A_365 = arith.addf %dot_general3A_354, %dot_general3A_364 : vector<1024x128xf32>
    %get3A_366 = arith.constant 2 : index
    %get3A_367 = arith.constant 0 : index
    %get3A_368 = arith.constant 0 : index
    %get3A_369 = vector.load %arg3[%get3A_366, %get3A_367, %get3A_368] : memref<12x1024x128xbf16, #tpu.memory_space<vmem>>, vector<1x1024x128xbf16>
    %get3A_370 = vector.shape_cast %get3A_369 : vector<1x1024x128xbf16> to vector<1024x128xbf16>
    %get3A_371 = arith.constant 256 : index
    %get3A_372 = arith.constant 0 : index
    %get3A_373 = vector.load %arg6[%get3A_371, %get3A_372] : memref<1536x128xbf16, #tpu.memory_space<vmem>>, vector<128x128xbf16>
    %dot_general3A_374 = arith.constant dense<0.000000e+00> : vector<1024x128xf32>
    %dot_general3A_375 = tpu.matmul %get3A_370, %get3A_373, %dot_general3A_374 {dimension_numbers = #tpu.dot_dimension_numbers<[1], [0], [0], [1], [0, 0, 1, 1], [], []>, transpose_lhs_hint = false} : vector<1024x128xbf16>, vector<128x128xbf16>, vector<1024x128xf32> -> vector<1024x128xf32>
    %add3A_376 = arith.addf %add3A_365, %dot_general3A_375 : vector<1024x128xf32>
    %get3A_377 = arith.constant 3 : index
    %get3A_378 = arith.constant 0 : index
    %get3A_379 = arith.constant 0 : index
    %get3A_380 = vector.load %arg3[%get3A_377, %get3A_378, %get3A_379] : memref<12x1024x128xbf16, #tpu.memory_space<vmem>>, vector<1x1024x128xbf16>
    %get3A_381 = vector.shape_cast %get3A_380 : vector<1x1024x128xbf16> to vector<1024x128xbf16>
    %get3A_382 = arith.constant 384 : index
    %get3A_383 = arith.constant 0 : index
    %get3A_384 = vector.load %arg6[%get3A_382, %get3A_383] : memref<1536x128xbf16, #tpu.memory_space<vmem>>, vector<128x128xbf16>
    %dot_general3A_385 = arith.constant dense<0.000000e+00> : vector<1024x128xf32>
    %dot_general3A_386 = tpu.matmul %get3A_381, %get3A_384, %dot_general3A_385 {dimension_numbers = #tpu.dot_dimension_numbers<[1], [0], [0], [1], [0, 0, 1, 1], [], []>, transpose_lhs_hint = false} : vector<1024x128xbf16>, vector<128x128xbf16>, vector<1024x128xf32> -> vector<1024x128xf32>
    %add3A_387 = arith.addf %add3A_376, %dot_general3A_386 : vector<1024x128xf32>
    %get3A_388 = arith.constant 4 : index
    %get3A_389 = arith.constant 0 : index
    %get3A_390 = arith.constant 0 : index
    %get3A_391 = vector.load %arg3[%get3A_388, %get3A_389, %get3A_390] : memref<12x1024x128xbf16, #tpu.memory_space<vmem>>, vector<1x1024x128xbf16>
    %get3A_392 = vector.shape_cast %get3A_391 : vector<1x1024x128xbf16> to vector<1024x128xbf16>
    %get3A_393 = arith.constant 512 : index
    %get3A_394 = arith.constant 0 : index
    %get3A_395 = vector.load %arg6[%get3A_393, %get3A_394] : memref<1536x128xbf16, #tpu.memory_space<vmem>>, vector<128x128xbf16>
    %dot_general3A_396 = arith.constant dense<0.000000e+00> : vector<1024x128xf32>
    %dot_general3A_397 = tpu.matmul %get3A_392, %get3A_395, %dot_general3A_396 {dimension_numbers = #tpu.dot_dimension_numbers<[1], [0], [0], [1], [0, 0, 1, 1], [], []>, transpose_lhs_hint = false} : vector<1024x128xbf16>, vector<128x128xbf16>, vector<1024x128xf32> -> vector<1024x128xf32>
    %add3A_398 = arith.addf %add3A_387, %dot_general3A_397 : vector<1024x128xf32>
    %get3A_399 = arith.constant 5 : index
    %get3A_400 = arith.constant 0 : index
    %get3A_401 = arith.constant 0 : index
    %get3A_402 = vector.load %arg3[%get3A_399, %get3A_400, %get3A_401] : memref<12x1024x128xbf16, #tpu.memory_space<vmem>>, vector<1x1024x128xbf16>
    %get3A_403 = vector.shape_cast %get3A_402 : vector<1x1024x128xbf16> to vector<1024x128xbf16>
    %get3A_404 = arith.constant 640 : index
    %get3A_405 = arith.constant 0 : index
    %get3A_406 = vector.load %arg6[%get3A_404, %get3A_405] : memref<1536x128xbf16, #tpu.memory_space<vmem>>, vector<128x128xbf16>
    %dot_general3A_407 = arith.constant dense<0.000000e+00> : vector<1024x128xf32>
    %dot_general3A_408 = tpu.matmul %get3A_403, %get3A_406, %dot_general3A_407 {dimension_numbers = #tpu.dot_dimension_numbers<[1], [0], [0], [1], [0, 0, 1, 1], [], []>, transpose_lhs_hint = false} : vector<1024x128xbf16>, vector<128x128xbf16>, vector<1024x128xf32> -> vector<1024x128xf32>
    %add3A_409 = arith.addf %add3A_398, %dot_general3A_408 : vector<1024x128xf32>
    %get3A_410 = arith.constant 6 : index
    %get3A_411 = arith.constant 0 : index
    %get3A_412 = arith.constant 0 : index
    %get3A_413 = vector.load %arg3[%get3A_410, %get3A_411, %get3A_412] : memref<12x1024x128xbf16, #tpu.memory_space<vmem>>, vector<1x1024x128xbf16>
    %get3A_414 = vector.shape_cast %get3A_413 : vector<1x1024x128xbf16> to vector<1024x128xbf16>
    %get3A_415 = arith.constant 768 : index
    %get3A_416 = arith.constant 0 : index
    %get3A_417 = vector.load %arg6[%get3A_415, %get3A_416] : memref<1536x128xbf16, #tpu.memory_space<vmem>>, vector<128x128xbf16>
    %dot_general3A_418 = arith.constant dense<0.000000e+00> : vector<1024x128xf32>
    %dot_general3A_419 = tpu.matmul %get3A_414, %get3A_417, %dot_general3A_418 {dimension_numbers = #tpu.dot_dimension_numbers<[1], [0], [0], [1], [0, 0, 1, 1], [], []>, transpose_lhs_hint = false} : vector<1024x128xbf16>, vector<128x128xbf16>, vector<1024x128xf32> -> vector<1024x128xf32>
    %add3A_420 = arith.addf %add3A_409, %dot_general3A_419 : vector<1024x128xf32>
    %get3A_421 = arith.constant 7 : index
    %get3A_422 = arith.constant 0 : index
    %get3A_423 = arith.constant 0 : index
    %get3A_424 = vector.load %arg3[%get3A_421, %get3A_422, %get3A_423] : memref<12x1024x128xbf16, #tpu.memory_space<vmem>>, vector<1x1024x128xbf16>
    %get3A_425 = vector.shape_cast %get3A_424 : vector<1x1024x128xbf16> to vector<1024x128xbf16>
    %get3A_426 = arith.constant 896 : index
    %get3A_427 = arith.constant 0 : index
    %get3A_428 = vector.load %arg6[%get3A_426, %get3A_427] : memref<1536x128xbf16, #tpu.memory_space<vmem>>, vector<128x128xbf16>
    %dot_general3A_429 = arith.constant dense<0.000000e+00> : vector<1024x128xf32>
    %dot_general3A_430 = tpu.matmul %get3A_425, %get3A_428, %dot_general3A_429 {dimension_numbers = #tpu.dot_dimension_numbers<[1], [0], [0], [1], [0, 0, 1, 1], [], []>, transpose_lhs_hint = false} : vector<1024x128xbf16>, vector<128x128xbf16>, vector<1024x128xf32> -> vector<1024x128xf32>
    %add3A_431 = arith.addf %add3A_420, %dot_general3A_430 : vector<1024x128xf32>
    %get3A_432 = arith.constant 8 : index
    %get3A_433 = arith.constant 0 : index
    %get3A_434 = arith.constant 0 : index
    %get3A_435 = vector.load %arg3[%get3A_432, %get3A_433, %get3A_434] : memref<12x1024x128xbf16, #tpu.memory_space<vmem>>, vector<1x1024x128xbf16>
    %get3A_436 = vector.shape_cast %get3A_435 : vector<1x1024x128xbf16> to vector<1024x128xbf16>
    %get3A_437 = arith.constant 1024 : index
    %get3A_438 = arith.constant 0 : index
    %get3A_439 = vector.load %arg6[%get3A_437, %get3A_438] : memref<1536x128xbf16, #tpu.memory_space<vmem>>, vector<128x128xbf16>
    %dot_general3A_440 = arith.constant dense<0.000000e+00> : vector<1024x128xf32>
    %dot_general3A_441 = tpu.matmul %get3A_436, %get3A_439, %dot_general3A_440 {dimension_numbers = #tpu.dot_dimension_numbers<[1], [0], [0], [1], [0, 0, 1, 1], [], []>, transpose_lhs_hint = false} : vector<1024x128xbf16>, vector<128x128xbf16>, vector<1024x128xf32> -> vector<1024x128xf32>
    %add3A_442 = arith.addf %add3A_431, %dot_general3A_441 : vector<1024x128xf32>
    %get3A_443 = arith.constant 9 : index
    %get3A_444 = arith.constant 0 : index
    %get3A_445 = arith.constant 0 : index
    %get3A_446 = vector.load %arg3[%get3A_443, %get3A_444, %get3A_445] : memref<12x1024x128xbf16, #tpu.memory_space<vmem>>, vector<1x1024x128xbf16>
    %get3A_447 = vector.shape_cast %get3A_446 : vector<1x1024x128xbf16> to vector<1024x128xbf16>
    %get3A_448 = arith.constant 1152 : index
    %get3A_449 = arith.constant 0 : index
    %get3A_450 = vector.load %arg6[%get3A_448, %get3A_449] : memref<1536x128xbf16, #tpu.memory_space<vmem>>, vector<128x128xbf16>
    %dot_general3A_451 = arith.constant dense<0.000000e+00> : vector<1024x128xf32>
    %dot_general3A_452 = tpu.matmul %get3A_447, %get3A_450, %dot_general3A_451 {dimension_numbers = #tpu.dot_dimension_numbers<[1], [0], [0], [1], [0, 0, 1, 1], [], []>, transpose_lhs_hint = false} : vector<1024x128xbf16>, vector<128x128xbf16>, vector<1024x128xf32> -> vector<1024x128xf32>
    %add3A_453 = arith.addf %add3A_442, %dot_general3A_452 : vector<1024x128xf32>
    %get3A_454 = arith.constant 10 : index
    %get3A_455 = arith.constant 0 : index
    %get3A_456 = arith.constant 0 : index
    %get3A_457 = vector.load %arg3[%get3A_454, %get3A_455, %get3A_456] : memref<12x1024x128xbf16, #tpu.memory_space<vmem>>, vector<1x1024x128xbf16>
    %get3A_458 = vector.shape_cast %get3A_457 : vector<1x1024x128xbf16> to vector<1024x128xbf16>
    %get3A_459 = arith.constant 1280 : index
    %get3A_460 = arith.constant 0 : index
    %get3A_461 = vector.load %arg6[%get3A_459, %get3A_460] : memref<1536x128xbf16, #tpu.memory_space<vmem>>, vector<128x128xbf16>
    %dot_general3A_462 = arith.constant dense<0.000000e+00> : vector<1024x128xf32>
    %dot_general3A_463 = tpu.matmul %get3A_458, %get3A_461, %dot_general3A_462 {dimension_numbers = #tpu.dot_dimension_numbers<[1], [0], [0], [1], [0, 0, 1, 1], [], []>, transpose_lhs_hint = false} : vector<1024x128xbf16>, vector<128x128xbf16>, vector<1024x128xf32> -> vector<1024x128xf32>
    %add3A_464 = arith.addf %add3A_453, %dot_general3A_463 : vector<1024x128xf32>
    %get3A_465 = arith.constant 11 : index
    %get3A_466 = arith.constant 0 : index
    %get3A_467 = arith.constant 0 : index
    %get3A_468 = vector.load %arg3[%get3A_465, %get3A_466, %get3A_467] : memref<12x1024x128xbf16, #tpu.memory_space<vmem>>, vector<1x1024x128xbf16>
    %get3A_469 = vector.shape_cast %get3A_468 : vector<1x1024x128xbf16> to vector<1024x128xbf16>
    %get3A_470 = arith.constant 1408 : index
    %get3A_471 = arith.constant 0 : index
    %get3A_472 = vector.load %arg6[%get3A_470, %get3A_471] : memref<1536x128xbf16, #tpu.memory_space<vmem>>, vector<128x128xbf16>
    %dot_general3A_473 = arith.constant dense<0.000000e+00> : vector<1024x128xf32>
    %dot_general3A_474 = tpu.matmul %get3A_469, %get3A_472, %dot_general3A_473 {dimension_numbers = #tpu.dot_dimension_numbers<[1], [0], [0], [1], [0, 0, 1, 1], [], []>, transpose_lhs_hint = false} : vector<1024x128xbf16>, vector<128x128xbf16>, vector<1024x128xf32> -> vector<1024x128xf32>
    %add3A_475 = arith.addf %add3A_464, %dot_general3A_474 : vector<1024x128xf32>
    %get3A_476 = arith.constant 0 : index
    %get3A_477 = arith.constant 0 : index
    %get3A_478 = vector.load %arg7[%get3A_476, %get3A_477] : memref<24x128xf32, #tpu.memory_space<vmem>>, vector<17x128xf32>
    %dot_general3A_479 = arith.constant dense<0.000000e+00> : vector<1024x128xf32>
    %dot_general3A_480 = tpu.matmul %get3A_344, %get3A_478, %dot_general3A_479 {dimension_numbers = #tpu.dot_dimension_numbers<[1], [0], [0], [1], [0, 0, 1, 1], [], []>, transpose_lhs_hint = false} : vector<1024x17xf32>, vector<17x128xf32>, vector<1024x128xf32> -> vector<1024x128xf32>
    %add3A_481 = arith.addf %add3A_475, %dot_general3A_480 : vector<1024x128xf32>
    %get3A_482 = arith.constant 0 : index
    %get3A_483 = arith.constant 0 : index
    %get3A_484 = vector.load %arg8[%get3A_482, %get3A_483] : memref<1x128xf32, #tpu.memory_space<vmem>>, vector<1x128xf32>
    %add3A_485 = vector.broadcast %get3A_484 : vector<1x128xf32> to vector<1024x128xf32>
    %add3A_486 = arith.addf %add3A_481, %add3A_485 : vector<1024x128xf32>
    %tanh3A_487 = math.tanh %add3A_486 : vector<1024x128xf32>
    %get3A_488 = arith.constant 0 : index
    %get3A_489 = arith.constant 0 : index
    %get3A_490 = vector.load %arg9[%get3A_488, %get3A_489] : memref<128x128xf32, #tpu.memory_space<vmem>>, vector<128x128xf32>
    %dot_general3A_491 = arith.constant dense<0.000000e+00> : vector<1024x128xf32>
    %dot_general3A_492 = tpu.matmul %tanh3A_487, %get3A_490, %dot_general3A_491 {dimension_numbers = #tpu.dot_dimension_numbers<[1], [0], [0], [1], [0, 0, 1, 1], [], []>, transpose_lhs_hint = false} : vector<1024x128xf32>, vector<128x128xf32>, vector<1024x128xf32> -> vector<1024x128xf32>
    %get3A_493 = arith.constant 0 : index
    %get3A_494 = arith.constant 0 : index
    %get3A_495 = vector.load %arg10[%get3A_493, %get3A_494] : memref<1x128xf32, #tpu.memory_space<vmem>>, vector<1x128xf32>
    %add3A_496 = vector.broadcast %get3A_495 : vector<1x128xf32> to vector<1024x128xf32>
    %add3A_497 = arith.addf %dot_general3A_492, %add3A_496 : vector<1024x128xf32>
    %tanh3A_498 = math.tanh %add3A_497 : vector<1024x128xf32>
    %get3A_499 = arith.constant 0 : index
    %get3A_500 = arith.constant 0 : index
    %get3A_501 = vector.load %arg11[%get3A_499, %get3A_500] : memref<128x32xf32, #tpu.memory_space<vmem>>, vector<128x32xf32>
    %dot_general3A_502 = arith.constant dense<0.000000e+00> : vector<1024x32xf32>
    %dot_general3A_503 = tpu.matmul %tanh3A_498, %get3A_501, %dot_general3A_502 {dimension_numbers = #tpu.dot_dimension_numbers<[1], [0], [0], [1], [0, 0, 1, 1], [], []>, transpose_lhs_hint = false} : vector<1024x128xf32>, vector<128x32xf32>, vector<1024x32xf32> -> vector<1024x32xf32>
    %get3A_504 = arith.constant 0 : index
    %get3A_505 = arith.constant 0 : index
    %get3A_506 = vector.load %arg12[%get3A_504, %get3A_505] : memref<1x32xf32, #tpu.memory_space<vmem>>, vector<1x32xf32>
    %add3A_507 = vector.broadcast %get3A_506 : vector<1x32xf32> to vector<1024x32xf32>
    %add3A_508 = arith.addf %dot_general3A_503, %add3A_507 : vector<1024x32xf32>
    %swap3A_509 = arith.constant 2048 : index
    %swap3A_510 = arith.constant 0 : index
    %swap3A_511 = vector.load %arg13[%swap3A_509, %swap3A_510] : memref<4096x128xf32, #tpu.memory_space<vmem>>, vector<1024x32xf32>
    tpu.vector_store %arg13[%swap3A_509, %swap3A_510], %add3A_508 {strides = array<i32>} : memref<4096x128xf32, #tpu.memory_space<vmem>>, vector<1024x32xf32>,
    %slice3A_512 = vector.extract_strided_slice %get3A_344 {offsets = [0, 16], sizes = [1024, 1], strides = [1, 1]} : vector<1024x17xf32> to vector<1024x1xf32>
    %swap3A_513 = arith.constant 2048 : index
    %swap3A_514 = arith.constant 18 : index
    %swap3A_515 = vector.load %arg13[%swap3A_513, %swap3A_514] : memref<4096x128xf32, #tpu.memory_space<vmem>>, vector<1024x1xf32>
    tpu.vector_store %arg13[%swap3A_513, %swap3A_514], %slice3A_512 {strides = array<i32>} : memref<4096x128xf32, #tpu.memory_space<vmem>>, vector<1024x1xf32>,
    %get3A_516 = arith.constant 3072 : index
    %get3A_517 = arith.constant 0 : index
    %get3A_518 = vector.load %arg5[%get3A_516, %get3A_517] : memref<4096x17xf32, #tpu.memory_space<vmem>>, vector<1024x17xf32>
    %get3A_519 = arith.constant 0 : index
    %get3A_520 = arith.constant 0 : index
    %get3A_521 = arith.constant 0 : index
    %get3A_522 = vector.load %arg4[%get3A_519, %get3A_520, %get3A_521] : memref<12x1024x128xbf16, #tpu.memory_space<vmem>>, vector<1x1024x128xbf16>
    %get3A_523 = vector.shape_cast %get3A_522 : vector<1x1024x128xbf16> to vector<1024x128xbf16>
    %get3A_524 = arith.constant 0 : index
    %get3A_525 = arith.constant 0 : index
    %get3A_526 = vector.load %arg6[%get3A_524, %get3A_525] : memref<1536x128xbf16, #tpu.memory_space<vmem>>, vector<128x128xbf16>
    %dot_general3A_527 = arith.constant dense<0.000000e+00> : vector<1024x128xf32>
    %dot_general3A_528 = tpu.matmul %get3A_523, %get3A_526, %dot_general3A_527 {dimension_numbers = #tpu.dot_dimension_numbers<[1], [0], [0], [1], [0, 0, 1, 1], [], []>, transpose_lhs_hint = false} : vector<1024x128xbf16>, vector<128x128xbf16>, vector<1024x128xf32> -> vector<1024x128xf32>
    %get3A_529 = arith.constant 1 : index
    %get3A_530 = arith.constant 0 : index
    %get3A_531 = arith.constant 0 : index
    %get3A_532 = vector.load %arg4[%get3A_529, %get3A_530, %get3A_531] : memref<12x1024x128xbf16, #tpu.memory_space<vmem>>, vector<1x1024x128xbf16>
    %get3A_533 = vector.shape_cast %get3A_532 : vector<1x1024x128xbf16> to vector<1024x128xbf16>
    %get3A_534 = arith.constant 128 : index
    %get3A_535 = arith.constant 0 : index
    %get3A_536 = vector.load %arg6[%get3A_534, %get3A_535] : memref<1536x128xbf16, #tpu.memory_space<vmem>>, vector<128x128xbf16>
    %dot_general3A_537 = arith.constant dense<0.000000e+00> : vector<1024x128xf32>
    %dot_general3A_538 = tpu.matmul %get3A_533, %get3A_536, %dot_general3A_537 {dimension_numbers = #tpu.dot_dimension_numbers<[1], [0], [0], [1], [0, 0, 1, 1], [], []>, transpose_lhs_hint = false} : vector<1024x128xbf16>, vector<128x128xbf16>, vector<1024x128xf32> -> vector<1024x128xf32>
    %add3A_539 = arith.addf %dot_general3A_528, %dot_general3A_538 : vector<1024x128xf32>
    %get3A_540 = arith.constant 2 : index
    %get3A_541 = arith.constant 0 : index
    %get3A_542 = arith.constant 0 : index
    %get3A_543 = vector.load %arg4[%get3A_540, %get3A_541, %get3A_542] : memref<12x1024x128xbf16, #tpu.memory_space<vmem>>, vector<1x1024x128xbf16>
    %get3A_544 = vector.shape_cast %get3A_543 : vector<1x1024x128xbf16> to vector<1024x128xbf16>
    %get3A_545 = arith.constant 256 : index
    %get3A_546 = arith.constant 0 : index
    %get3A_547 = vector.load %arg6[%get3A_545, %get3A_546] : memref<1536x128xbf16, #tpu.memory_space<vmem>>, vector<128x128xbf16>
    %dot_general3A_548 = arith.constant dense<0.000000e+00> : vector<1024x128xf32>
    %dot_general3A_549 = tpu.matmul %get3A_544, %get3A_547, %dot_general3A_548 {dimension_numbers = #tpu.dot_dimension_numbers<[1], [0], [0], [1], [0, 0, 1, 1], [], []>, transpose_lhs_hint = false} : vector<1024x128xbf16>, vector<128x128xbf16>, vector<1024x128xf32> -> vector<1024x128xf32>
    %add3A_550 = arith.addf %add3A_539, %dot_general3A_549 : vector<1024x128xf32>
    %get3A_551 = arith.constant 3 : index
    %get3A_552 = arith.constant 0 : index
    %get3A_553 = arith.constant 0 : index
    %get3A_554 = vector.load %arg4[%get3A_551, %get3A_552, %get3A_553] : memref<12x1024x128xbf16, #tpu.memory_space<vmem>>, vector<1x1024x128xbf16>
    %get3A_555 = vector.shape_cast %get3A_554 : vector<1x1024x128xbf16> to vector<1024x128xbf16>
    %get3A_556 = arith.constant 384 : index
    %get3A_557 = arith.constant 0 : index
    %get3A_558 = vector.load %arg6[%get3A_556, %get3A_557] : memref<1536x128xbf16, #tpu.memory_space<vmem>>, vector<128x128xbf16>
    %dot_general3A_559 = arith.constant dense<0.000000e+00> : vector<1024x128xf32>
    %dot_general3A_560 = tpu.matmul %get3A_555, %get3A_558, %dot_general3A_559 {dimension_numbers = #tpu.dot_dimension_numbers<[1], [0], [0], [1], [0, 0, 1, 1], [], []>, transpose_lhs_hint = false} : vector<1024x128xbf16>, vector<128x128xbf16>, vector<1024x128xf32> -> vector<1024x128xf32>
    %add3A_561 = arith.addf %add3A_550, %dot_general3A_560 : vector<1024x128xf32>
    %get3A_562 = arith.constant 4 : index
    %get3A_563 = arith.constant 0 : index
    %get3A_564 = arith.constant 0 : index
    %get3A_565 = vector.load %arg4[%get3A_562, %get3A_563, %get3A_564] : memref<12x1024x128xbf16, #tpu.memory_space<vmem>>, vector<1x1024x128xbf16>
    %get3A_566 = vector.shape_cast %get3A_565 : vector<1x1024x128xbf16> to vector<1024x128xbf16>
    %get3A_567 = arith.constant 512 : index
    %get3A_568 = arith.constant 0 : index
    %get3A_569 = vector.load %arg6[%get3A_567, %get3A_568] : memref<1536x128xbf16, #tpu.memory_space<vmem>>, vector<128x128xbf16>
    %dot_general3A_570 = arith.constant dense<0.000000e+00> : vector<1024x128xf32>
    %dot_general3A_571 = tpu.matmul %get3A_566, %get3A_569, %dot_general3A_570 {dimension_numbers = #tpu.dot_dimension_numbers<[1], [0], [0], [1], [0, 0, 1, 1], [], []>, transpose_lhs_hint = false} : vector<1024x128xbf16>, vector<128x128xbf16>, vector<1024x128xf32> -> vector<1024x128xf32>
    %add3A_572 = arith.addf %add3A_561, %dot_general3A_571 : vector<1024x128xf32>
    %get3A_573 = arith.constant 5 : index
    %get3A_574 = arith.constant 0 : index
    %get3A_575 = arith.constant 0 : index
    %get3A_576 = vector.load %arg4[%get3A_573, %get3A_574, %get3A_575] : memref<12x1024x128xbf16, #tpu.memory_space<vmem>>, vector<1x1024x128xbf16>
    %get3A_577 = vector.shape_cast %get3A_576 : vector<1x1024x128xbf16> to vector<1024x128xbf16>
    %get3A_578 = arith.constant 640 : index
    %get3A_579 = arith.constant 0 : index
    %get3A_580 = vector.load %arg6[%get3A_578, %get3A_579] : memref<1536x128xbf16, #tpu.memory_space<vmem>>, vector<128x128xbf16>
    %dot_general3A_581 = arith.constant dense<0.000000e+00> : vector<1024x128xf32>
    %dot_general3A_582 = tpu.matmul %get3A_577, %get3A_580, %dot_general3A_581 {dimension_numbers = #tpu.dot_dimension_numbers<[1], [0], [0], [1], [0, 0, 1, 1], [], []>, transpose_lhs_hint = false} : vector<1024x128xbf16>, vector<128x128xbf16>, vector<1024x128xf32> -> vector<1024x128xf32>
    %add3A_583 = arith.addf %add3A_572, %dot_general3A_582 : vector<1024x128xf32>
    %get3A_584 = arith.constant 6 : index
    %get3A_585 = arith.constant 0 : index
    %get3A_586 = arith.constant 0 : index
    %get3A_587 = vector.load %arg4[%get3A_584, %get3A_585, %get3A_586] : memref<12x1024x128xbf16, #tpu.memory_space<vmem>>, vector<1x1024x128xbf16>
    %get3A_588 = vector.shape_cast %get3A_587 : vector<1x1024x128xbf16> to vector<1024x128xbf16>
    %get3A_589 = arith.constant 768 : index
    %get3A_590 = arith.constant 0 : index
    %get3A_591 = vector.load %arg6[%get3A_589, %get3A_590] : memref<1536x128xbf16, #tpu.memory_space<vmem>>, vector<128x128xbf16>
    %dot_general3A_592 = arith.constant dense<0.000000e+00> : vector<1024x128xf32>
    %dot_general3A_593 = tpu.matmul %get3A_588, %get3A_591, %dot_general3A_592 {dimension_numbers = #tpu.dot_dimension_numbers<[1], [0], [0], [1], [0, 0, 1, 1], [], []>, transpose_lhs_hint = false} : vector<1024x128xbf16>, vector<128x128xbf16>, vector<1024x128xf32> -> vector<1024x128xf32>
    %add3A_594 = arith.addf %add3A_583, %dot_general3A_593 : vector<1024x128xf32>
    %get3A_595 = arith.constant 7 : index
    %get3A_596 = arith.constant 0 : index
    %get3A_597 = arith.constant 0 : index
    %get3A_598 = vector.load %arg4[%get3A_595, %get3A_596, %get3A_597] : memref<12x1024x128xbf16, #tpu.memory_space<vmem>>, vector<1x1024x128xbf16>
    %get3A_599 = vector.shape_cast %get3A_598 : vector<1x1024x128xbf16> to vector<1024x128xbf16>
    %get3A_600 = arith.constant 896 : index
    %get3A_601 = arith.constant 0 : index
    %get3A_602 = vector.load %arg6[%get3A_600, %get3A_601] : memref<1536x128xbf16, #tpu.memory_space<vmem>>, vector<128x128xbf16>
    %dot_general3A_603 = arith.constant dense<0.000000e+00> : vector<1024x128xf32>
    %dot_general3A_604 = tpu.matmul %get3A_599, %get3A_602, %dot_general3A_603 {dimension_numbers = #tpu.dot_dimension_numbers<[1], [0], [0], [1], [0, 0, 1, 1], [], []>, transpose_lhs_hint = false} : vector<1024x128xbf16>, vector<128x128xbf16>, vector<1024x128xf32> -> vector<1024x128xf32>
    %add3A_605 = arith.addf %add3A_594, %dot_general3A_604 : vector<1024x128xf32>
    %get3A_606 = arith.constant 8 : index
    %get3A_607 = arith.constant 0 : index
    %get3A_608 = arith.constant 0 : index
    %get3A_609 = vector.load %arg4[%get3A_606, %get3A_607, %get3A_608] : memref<12x1024x128xbf16, #tpu.memory_space<vmem>>, vector<1x1024x128xbf16>
    %get3A_610 = vector.shape_cast %get3A_609 : vector<1x1024x128xbf16> to vector<1024x128xbf16>
    %get3A_611 = arith.constant 1024 : index
    %get3A_612 = arith.constant 0 : index
    %get3A_613 = vector.load %arg6[%get3A_611, %get3A_612] : memref<1536x128xbf16, #tpu.memory_space<vmem>>, vector<128x128xbf16>
    %dot_general3A_614 = arith.constant dense<0.000000e+00> : vector<1024x128xf32>
    %dot_general3A_615 = tpu.matmul %get3A_610, %get3A_613, %dot_general3A_614 {dimension_numbers = #tpu.dot_dimension_numbers<[1], [0], [0], [1], [0, 0, 1, 1], [], []>, transpose_lhs_hint = false} : vector<1024x128xbf16>, vector<128x128xbf16>, vector<1024x128xf32> -> vector<1024x128xf32>
    %add3A_616 = arith.addf %add3A_605, %dot_general3A_615 : vector<1024x128xf32>
    %get3A_617 = arith.constant 9 : index
    %get3A_618 = arith.constant 0 : index
    %get3A_619 = arith.constant 0 : index
    %get3A_620 = vector.load %arg4[%get3A_617, %get3A_618, %get3A_619] : memref<12x1024x128xbf16, #tpu.memory_space<vmem>>, vector<1x1024x128xbf16>
    %get3A_621 = vector.shape_cast %get3A_620 : vector<1x1024x128xbf16> to vector<1024x128xbf16>
    %get3A_622 = arith.constant 1152 : index
    %get3A_623 = arith.constant 0 : index
    %get3A_624 = vector.load %arg6[%get3A_622, %get3A_623] : memref<1536x128xbf16, #tpu.memory_space<vmem>>, vector<128x128xbf16>
    %dot_general3A_625 = arith.constant dense<0.000000e+00> : vector<1024x128xf32>
    %dot_general3A_626 = tpu.matmul %get3A_621, %get3A_624, %dot_general3A_625 {dimension_numbers = #tpu.dot_dimension_numbers<[1], [0], [0], [1], [0, 0, 1, 1], [], []>, transpose_lhs_hint = false} : vector<1024x128xbf16>, vector<128x128xbf16>, vector<1024x128xf32> -> vector<1024x128xf32>
    %add3A_627 = arith.addf %add3A_616, %dot_general3A_626 : vector<1024x128xf32>
    %get3A_628 = arith.constant 10 : index
    %get3A_629 = arith.constant 0 : index
    %get3A_630 = arith.constant 0 : index
    %get3A_631 = vector.load %arg4[%get3A_628, %get3A_629, %get3A_630] : memref<12x1024x128xbf16, #tpu.memory_space<vmem>>, vector<1x1024x128xbf16>
    %get3A_632 = vector.shape_cast %get3A_631 : vector<1x1024x128xbf16> to vector<1024x128xbf16>
    %get3A_633 = arith.constant 1280 : index
    %get3A_634 = arith.constant 0 : index
    %get3A_635 = vector.load %arg6[%get3A_633, %get3A_634] : memref<1536x128xbf16, #tpu.memory_space<vmem>>, vector<128x128xbf16>
    %dot_general3A_636 = arith.constant dense<0.000000e+00> : vector<1024x128xf32>
    %dot_general3A_637 = tpu.matmul %get3A_632, %get3A_635, %dot_general3A_636 {dimension_numbers = #tpu.dot_dimension_numbers<[1], [0], [0], [1], [0, 0, 1, 1], [], []>, transpose_lhs_hint = false} : vector<1024x128xbf16>, vector<128x128xbf16>, vector<1024x128xf32> -> vector<1024x128xf32>
    %add3A_638 = arith.addf %add3A_627, %dot_general3A_637 : vector<1024x128xf32>
    %get3A_639 = arith.constant 11 : index
    %get3A_640 = arith.constant 0 : index
    %get3A_641 = arith.constant 0 : index
    %get3A_642 = vector.load %arg4[%get3A_639, %get3A_640, %get3A_641] : memref<12x1024x128xbf16, #tpu.memory_space<vmem>>, vector<1x1024x128xbf16>
    %get3A_643 = vector.shape_cast %get3A_642 : vector<1x1024x128xbf16> to vector<1024x128xbf16>
    %get3A_644 = arith.constant 1408 : index
    %get3A_645 = arith.constant 0 : index
    %get3A_646 = vector.load %arg6[%get3A_644, %get3A_645] : memref<1536x128xbf16, #tpu.memory_space<vmem>>, vector<128x128xbf16>
    %dot_general3A_647 = arith.constant dense<0.000000e+00> : vector<1024x128xf32>
    %dot_general3A_648 = tpu.matmul %get3A_643, %get3A_646, %dot_general3A_647 {dimension_numbers = #tpu.dot_dimension_numbers<[1], [0], [0], [1], [0, 0, 1, 1], [], []>, transpose_lhs_hint = false} : vector<1024x128xbf16>, vector<128x128xbf16>, vector<1024x128xf32> -> vector<1024x128xf32>
    %add3A_649 = arith.addf %add3A_638, %dot_general3A_648 : vector<1024x128xf32>
    %get3A_650 = arith.constant 0 : index
    %get3A_651 = arith.constant 0 : index
    %get3A_652 = vector.load %arg7[%get3A_650, %get3A_651] : memref<24x128xf32, #tpu.memory_space<vmem>>, vector<17x128xf32>
    %dot_general3A_653 = arith.constant dense<0.000000e+00> : vector<1024x128xf32>
    %dot_general3A_654 = tpu.matmul %get3A_518, %get3A_652, %dot_general3A_653 {dimension_numbers = #tpu.dot_dimension_numbers<[1], [0], [0], [1], [0, 0, 1, 1], [], []>, transpose_lhs_hint = false} : vector<1024x17xf32>, vector<17x128xf32>, vector<1024x128xf32> -> vector<1024x128xf32>
    %add3A_655 = arith.addf %add3A_649, %dot_general3A_654 : vector<1024x128xf32>
    %get3A_656 = arith.constant 0 : index
    %get3A_657 = arith.constant 0 : index
    %get3A_658 = vector.load %arg8[%get3A_656, %get3A_657] : memref<1x128xf32, #tpu.memory_space<vmem>>, vector<1x128xf32>
    %add3A_659 = vector.broadcast %get3A_658 : vector<1x128xf32> to vector<1024x128xf32>
    %add3A_660 = arith.addf %add3A_655, %add3A_659 : vector<1024x128xf32>
    %tanh3A_661 = math.tanh %add3A_660 : vector<1024x128xf32>
    %get3A_662 = arith.constant 0 : index
    %get3A_663 = arith.constant 0 : index
    %get3A_664 = vector.load %arg9[%get3A_662, %get3A_663] : memref<128x128xf32, #tpu.memory_space<vmem>>, vector<128x128xf32>
    %dot_general3A_665 = arith.constant dense<0.000000e+00> : vector<1024x128xf32>
    %dot_general3A_666 = tpu.matmul %tanh3A_661, %get3A_664, %dot_general3A_665 {dimension_numbers = #tpu.dot_dimension_numbers<[1], [0], [0], [1], [0, 0, 1, 1], [], []>, transpose_lhs_hint = false} : vector<1024x128xf32>, vector<128x128xf32>, vector<1024x128xf32> -> vector<1024x128xf32>
    %get3A_667 = arith.constant 0 : index
    %get3A_668 = arith.constant 0 : index
    %get3A_669 = vector.load %arg10[%get3A_667, %get3A_668] : memref<1x128xf32, #tpu.memory_space<vmem>>, vector<1x128xf32>
    %add3A_670 = vector.broadcast %get3A_669 : vector<1x128xf32> to vector<1024x128xf32>
    %add3A_671 = arith.addf %dot_general3A_666, %add3A_670 : vector<1024x128xf32>
    %tanh3A_672 = math.tanh %add3A_671 : vector<1024x128xf32>
    %get3A_673 = arith.constant 0 : index
    %get3A_674 = arith.constant 0 : index
    %get3A_675 = vector.load %arg11[%get3A_673, %get3A_674] : memref<128x32xf32, #tpu.memory_space<vmem>>, vector<128x32xf32>
    %dot_general3A_676 = arith.constant dense<0.000000e+00> : vector<1024x32xf32>
    %dot_general3A_677 = tpu.matmul %tanh3A_672, %get3A_675, %dot_general3A_676 {dimension_numbers = #tpu.dot_dimension_numbers<[1], [0], [0], [1], [0, 0, 1, 1], [], []>, transpose_lhs_hint = false} : vector<1024x128xf32>, vector<128x32xf32>, vector<1024x32xf32> -> vector<1024x32xf32>
    %get3A_678 = arith.constant 0 : index
    %get3A_679 = arith.constant 0 : index
    %get3A_680 = vector.load %arg12[%get3A_678, %get3A_679] : memref<1x32xf32, #tpu.memory_space<vmem>>, vector<1x32xf32>
    %add3A_681 = vector.broadcast %get3A_680 : vector<1x32xf32> to vector<1024x32xf32>
    %add3A_682 = arith.addf %dot_general3A_677, %add3A_681 : vector<1024x32xf32>
    %swap3A_683 = arith.constant 3072 : index
    %swap3A_684 = arith.constant 0 : index
    %swap3A_685 = vector.load %arg13[%swap3A_683, %swap3A_684] : memref<4096x128xf32, #tpu.memory_space<vmem>>, vector<1024x32xf32>
    tpu.vector_store %arg13[%swap3A_683, %swap3A_684], %add3A_682 {strides = array<i32>} : memref<4096x128xf32, #tpu.memory_space<vmem>>, vector<1024x32xf32>,
    %slice3A_686 = vector.extract_strided_slice %get3A_518 {offsets = [0, 16], sizes = [1024, 1], strides = [1, 1]} : vector<1024x17xf32> to vector<1024x1xf32>
    %swap3A_687 = arith.constant 3072 : index
    %swap3A_688 = arith.constant 18 : index
    %swap3A_689 = vector.load %arg13[%swap3A_687, %swap3A_688] : memref<4096x128xf32, #tpu.memory_space<vmem>>, vector<1024x1xf32>
    tpu.vector_store %arg13[%swap3A_687, %swap3A_688], %slice3A_686 {strides = array<i32>} : memref<4096x128xf32, #tpu.memory_space<vmem>>, vector<1024x1xf32>,
    return
  }
  func.func @transform_0(%arg0: i32) -> (i32, i32, i32) {
    %mul3A = arith.constant 4 : i32
    %mul3A_0 = arith.muli %mul3A, %arg0 : i32
    %add3A = arith.constant 0 : i32
    %add3A_1 = arith.addi %mul3A_0, %add3A : i32
    %c0_i32 = arith.constant 0 : i32
    %c0_i32_2 = arith.constant 0 : i32
    %c0_i32_3 = arith.constant 0 : i32
    return %c0_i32, %add3A_1, %c0_i32_2 : i32, i32, i32
  }
  func.func @transform_1(%arg0: i32) -> (i32, i32, i32) {
    %mul3A = arith.constant 4 : i32
    %mul3A_0 = arith.muli %mul3A, %arg0 : i32
    %add3A = arith.constant 1 : i32
    %add3A_1 = arith.addi %mul3A_0, %add3A : i32
    %c0_i32 = arith.constant 0 : i32
    %c0_i32_2 = arith.constant 0 : i32
    %c0_i32_3 = arith.constant 0 : i32
    return %c0_i32, %add3A_1, %c0_i32_2 : i32, i32, i32
  }
  func.func @transform_2(%arg0: i32) -> (i32, i32, i32) {
    %mul3A = arith.constant 4 : i32
    %mul3A_0 = arith.muli %mul3A, %arg0 : i32
    %add3A = arith.constant 2 : i32
    %add3A_1 = arith.addi %mul3A_0, %add3A : i32
    %c0_i32 = arith.constant 0 : i32
    %c0_i32_2 = arith.constant 0 : i32
    %c0_i32_3 = arith.constant 0 : i32
    return %c0_i32, %add3A_1, %c0_i32_2 : i32, i32, i32
  }
  func.func @transform_3(%arg0: i32) -> (i32, i32, i32) {
    %mul3A = arith.constant 4 : i32
    %mul3A_0 = arith.muli %mul3A, %arg0 : i32
    %add3A = arith.constant 3 : i32
    %add3A_1 = arith.addi %mul3A_0, %add3A : i32
    %c0_i32 = arith.constant 0 : i32
    %c0_i32_2 = arith.constant 0 : i32
    %c0_i32_3 = arith.constant 0 : i32
    return %c0_i32, %add3A_1, %c0_i32_2 : i32, i32, i32
  }
  func.func @transform_4(%arg0: i32) -> (i32, i32) {
    %c0_i32 = arith.constant 0 : i32
    %c0_i32_0 = arith.constant 0 : i32
    return %arg0, %c0_i32 : i32, i32
  }
  func.func @transform_5(%arg0: i32) -> (i32, i32) {
    %c0_i32 = arith.constant 0 : i32
    %c0_i32_0 = arith.constant 0 : i32
    %c0_i32_1 = arith.constant 0 : i32
    return %c0_i32, %c0_i32_0 : i32, i32
  }
  func.func @transform_6(%arg0: i32) -> (i32, i32) {
    %c0_i32 = arith.constant 0 : i32
    %c0_i32_0 = arith.constant 0 : i32
    %c0_i32_1 = arith.constant 0 : i32
    return %c0_i32, %c0_i32_0 : i32, i32
  }
  func.func @transform_7(%arg0: i32) -> (i32, i32) {
    %c0_i32 = arith.constant 0 : i32
    %c0_i32_0 = arith.constant 0 : i32
    %c0_i32_1 = arith.constant 0 : i32
    return %c0_i32, %c0_i32_0 : i32, i32
  }
  func.func @transform_8(%arg0: i32) -> (i32, i32) {
    %c0_i32 = arith.constant 0 : i32
    %c0_i32_0 = arith.constant 0 : i32
    %c0_i32_1 = arith.constant 0 : i32
    return %c0_i32, %c0_i32_0 : i32, i32
  }
  func.func @transform_9(%arg0: i32) -> (i32, i32) {
    %c0_i32 = arith.constant 0 : i32
    %c0_i32_0 = arith.constant 0 : i32
    %c0_i32_1 = arith.constant 0 : i32
    return %c0_i32, %c0_i32_0 : i32, i32
  }
  func.func @transform_10(%arg0: i32) -> (i32, i32) {
    %c0_i32 = arith.constant 0 : i32
    %c0_i32_0 = arith.constant 0 : i32
    %c0_i32_1 = arith.constant 0 : i32
    return %c0_i32, %c0_i32_0 : i32, i32
  }
  func.func @transform_11(%arg0: i32) -> (i32, i32) {
    %c0_i32 = arith.constant 0 : i32
    %c0_i32_0 = arith.constant 0 : i32
    %c0_i32_1 = arith.constant 0 : i32
    return %c0_i32, %c0_i32_0 : i32, i32
  }
  func.func @transform_12(%arg0: i32) -> (i32, i32) {
    %c0_i32 = arith.constant 0 : i32
    %c0_i32_0 = arith.constant 0 : i32
    return %arg0, %c0_i32 : i32, i32
  }
}

</mosaic_0001>

<sc_bundles>
// kernel: kernel.5.cloned.1.call-start
scs
__scs_entry_jumppad:
0x0: {  	(pc) =	sbr.rel $0x88, $3  }
0x1: {  	(tag) =	ssettag $0x0;
	lr =	simm.s32 $0x1  }
0x2: {  	[smem:$0x3F87] =	sst lr;
	_ =	strace $0xD0000000  }
0x3: {  	_ = 	snop  }
0x4: {  	_ = 	snop  }
0x5: {  	_ = 	snop  }
0x6: {  	_ = 	snop  }
0x7: {  	_ = 	snop  }
__scs_overlays_trampoline_lowered:
0x8: {  	[smem:$0x3F96] =	sst s0  }
0x9: {  	[smem:$0x3F97] =	sst s1  }
0xa: {  	[smem:$0x3F98] =	sst s2  }
0xb: {  	[smem:$0x3F99] =	sst s3  }
0xc: {  	[smem:$0x3F9A] =	sst s4  }
0xd: {  	[smem:$0x3F9B] =	sst s5  }
0xe: {  	[smem:$0x3F9C] =	sst s6  }
0xf: {  	[smem:$0x3F9D] =	sst s7  }
0x10: {  	[smem:$0x3F9E] =	sst s8  }
0x11: {  	[smem:$0x3F9F] =	sst s9;
	s0 =	simm.s32 @!p0 $0x0  }
0x12: {  	s1 =	sld [smem:$0x3F85];
	s0 =	simm.s32 @p0 $0x1  }
0x13: {  	[smem:$0x3FA0] =	sst s0;
	s0 =	simm.s32 @!p1 $0x0  }
0x14: {  	s2 =	sld [smem:$0x3F84];
	s0 =	simm.s32 @p1 $0x1  }
0x15: {  	[smem:$0x3FA1] =	sst s0;
	s0 =	simm.s32 @!p2 $0x0  }
0x16: {  	s3 =	sld [smem:$0x3FDB];
	s0 =	simm.s32 @p2 $0x1  }
0x17: {  	s4 =	simm.s32 $0x1BF5;
	[smem:$0x3FA3] =	sst s0  }
0x18: {  	s0 =	sld [smem:$0x3F86];
	_ =	swait.ge [sflag:s4], $0x0  }
0x19: {  	s7 =	sld [smem:$0x3F87]  }
0x1a: {  	s8 =	sadd.s32 $0xFFFFE003, lr  }
0x1b: {  	s9 =	sadd.s32 $0xFFFFFEF7, lr;
	s5 =	simm.s32 $0xFFFFFFFF;
	p2 =	slt.u32 s8, $0xFFFFF086  }
0x1c: {  	p1 =	slt.u32 s9, $0xF7A;
	s5 =	simm.s32 @!p2 $0x0  }
0x1d: {  	s5 =	simm.s32 @p1 $0x1;
	p0 =	seq.s32 s7, s2  }
0x1e: {  	s7 =	smul.u32 @!p0 $0xF7A, s2;
	p2 =	seq.s32 @!p0 s5, $0x0  }
0x1f: {  	s9 =	smul.u32 $0xF7A, s1;
	s8 =	simm.s32 @!p0 $0x1BF5;
	p2 =	por !p2, p0  }
0x20: {  	[sflag:s8] =	ssyncset.s32 @!p0 $0xFFFFF086;
	s6 =	sadd.s32 @!p0 s3, s7;
	s7 =	simm.s32 @!p0 $0x108  }
0x21: {  	s3 =	sadd.s32 s3, s9;
	s6 =	sadd.s32 @!p0 $0x88, s6;
	s7 =	simm.s32 @p2 $0x1082  }
0x22: {  	[simem:s7], [sflag:s8] =	dma.local @!p0 [hbm:s6], $0xF7A  }
0x23: {  	s9 =	sor.u32 $0xD0000000, s2;
	s6 =	simm.s32 $0x108;
	_ =	swait.ge @!p0 [sflag:s8], $0x0  }
0x24: {  	s3 =	sadd.s32 $0x88, s3;
	s6 =	simm.s32 @!p1 $0x1082;
	[sflag:s4] =	ssyncset.s32 $0xFFFFF086  }
0x25: {  	[simem:s6], [sflag:s4] =	dma.local [hbm:s3], $0xF7A  }
0x26: {  	[smem:$0x3F87] =	sst s1;
	(tag) =	ssettag s2;
	_ =	strace s9  }
0x27: {  	s1 =	sld [smem:$0x3F97]  }
0x28: {  	s2 =	sld [smem:$0x3F98]  }
0x29: {  	s4 =	sld [smem:$0x3F9A]  }
0x2a: {  	p0 =	seq.s32 s5, $0x0;
	s5 =	sld [smem:$0x3F9B]  }
0x2b: {  	s6 =	sld [smem:$0x3F9C]  }
0x2c: {  	s7 =	sld [smem:$0x3F9D]  }
0x2d: {  	s3 =	simm.s32 $0x108;
	s8 =	sld [smem:$0x3F9E]  }
0x2e: {  	s3 =	simm.s32 @!p0 $0x1082;
	s9 =	sld [smem:$0x3F9F]  }
0x2f: {  	lr =	sadd.s32 s0, s3;
	s0 =	sld [smem:$0x3F96]  }
0x30: {  	s3 =	sld [smem:$0x3F99]  }
0x31: {  	[smem:$0x3FA2] =	sst s10  }
0x32: {  	s10 =	sld [smem:$0x3FA0];
	_ =	sdelay $0x3  }
0x33: {  	p0 =	seq.s32 s10, $0x1;
	s10 =	sld [smem:$0x3FA2];
	_ =	sdelay $0x3  }
0x34: {  	[smem:$0x3FA2] =	sst s10  }
0x35: {  	s10 =	sld [smem:$0x3FA1];
	_ =	sdelay $0x3  }
0x36: {  	p1 =	seq.s32 s10, $0x1;
	s10 =	sld [smem:$0x3FA2];
	_ =	sdelay $0x3  }
0x37: {  	[smem:$0x3FA2] =	sst s10  }
0x38: {  	s10 =	sld [smem:$0x3FA3]  }
0x39: {  	_ = 	snop;
	(pc) =	sbr.ind lr, $3  }
0x3a: {  	_ = 	snop  }
0x3b: {  	_ = 	snop  }
0x3c: {  	p2 =	seq.s32 s10, $0x1;
	s10 =	sld [smem:$0x3FA2]  }
0x3d: {  	_ =	shalt  }
0x3e: {  	_ =	shalt  }
0x3f: {  	_ =	shalt  }
0x40: {  	_ =	shalt  }
0x41: {  	_ =	shalt  }
0x42: {  	_ =	shalt  }
0x43: {  	_ =	shalt  }
0x44: {  	_ =	shalt  }
0x45: {  	_ =	shalt  }
0x46: {  	_ =	shalt  }
0x47: {  	_ =	shalt  }
0x48: {  	_ =	shalt  }
0x49: {  	_ =	shalt  }
0x4a: {  	_ =	shalt  }
0x4b: {  	_ =	shalt  }
0x4c: {  	_ =	shalt  }
0x4d: {  	_ =	shalt  }
0x4e: {  	_ =	shalt  }
0x4f: {  	_ =	shalt  }
0x50: {  	_ =	shalt  }
0x51: {  	_ =	shalt  }
0x52: {  	_ =	shalt  }
0x53: {  	_ =	shalt  }
0x54: {  	_ =	shalt  }
0x55: {  	_ =	shalt  }
0x56: {  	_ =	shalt  }
0x57: {  	_ =	shalt  }
0x58: {  	_ =	shalt  }
0x59: {  	_ =	shalt  }
0x5a: {  	_ =	shalt  }
0x5b: {  	_ =	shalt  }
0x5c: {  	_ =	shalt  }
0x5d: {  	_ =	shalt  }
0x5e: {  	_ =	shalt  }
0x5f: {  	_ =	shalt  }
0x60: {  	_ =	shalt  }
0x61: {  	_ =	shalt  }
0x62: {  	_ =	shalt  }
0x63: {  	_ =	shalt  }
0x64: {  	_ =	shalt  }
0x65: {  	_ =	shalt  }
0x66: {  	_ =	shalt  }
0x67: {  	_ =	shalt  }
0x68: {  	_ =	shalt  }
0x69: {  	_ =	shalt  }
0x6a: {  	_ =	shalt  }
0x6b: {  	_ =	shalt  }
0x6c: {  	_ =	shalt  }
0x6d: {  	_ =	shalt  }
0x6e: {  	_ =	shalt  }
0x6f: {  	_ =	shalt  }
0x70: {  	_ =	shalt  }
0x71: {  	_ =	shalt  }
0x72: {  	_ =	shalt  }
0x73: {  	_ =	shalt  }
0x74: {  	_ =	shalt  }
0x75: {  	_ =	shalt  }
0x76: {  	_ =	shalt  }
0x77: {  	_ =	shalt  }
0x78: {  	_ =	shalt  }
0x79: {  	_ =	shalt  }
0x7a: {  	_ =	shalt  }
0x7b: {  	_ =	shalt  }
0x7c: {  	_ =	shalt  }
0x7d: {  	_ =	shalt  }
0x7e: {  	_ =	shalt  }
0x7f: {  	_ =	shalt  }
0x80: {  	_ =	shalt  }
0x81: {  	_ =	shalt  }
0x82: {  	_ =	shalt  }
0x83: {  	_ =	shalt  }
0x84: {  	_ =	shalt  }
0x85: {  	_ =	shalt  }
0x86: {  	_ =	shalt  }
0x87: {  	_ =	shalt  }
.Lfunc_end0:
.L_simem_size_0:
called_computation.1_lowered:
.L_overlay_start_0:
0x88: {  	s2 =	sld [smem:$0x3FD9]  }
0x89: {  	s3 =	sld [smem:$0x3FFE];
	_ =	sdelay $0x1  }
0x8a: {  	s1 =	srdreg.scid  }
0x8b: {  	s0 =	sand.u32 $0x1, s1  }
0x8c: {  	s17 =	sshll.u32 s0, $0xA;
	s2 =	sadd.s32 s3, s2  }
0x8d: {  	s2 =	sadd.s32 s2, s17  }
0x8e: {  	[smem:$0x3FAE] =	sst s2  }
0x8f: {  	_ = 	snop  }
0x90: {  	s2 =	sld [smem:$0x3FC8]  }
0x91: {  	s18 =	sld [smem:$0x3FD0];
	(tm) =	ssettm $0x1  }
0x92: {  	s4 =	sld [smem:$0x3FFB];
	_ =	sdelay $0x3  }
0x93: {  	_ =	strace s4  }
0x94: {  	s4 =	sld [smem:$0x3FFC];
	_ =	sdelay $0x3  }
0x95: {  	_ =	strace s4  }
0x96: {  	s4 =	sld [smem:$0x3FFD];
	_ =	sdelay $0x3  }
0x97: {  	_ =	strace s4  }
0x98: {  	_ =	strace $0x8FFFFFFF  }
0x99: {  	s19 =	sld [smem:$0x3FDB];
	_ =	sdelay $0x1  }
0x9a: {  	s5 =	simm.s32 $_scs_section_size  }
0x9b: {  	s6 =	simm.s32 $_size__tile_overlayer_lowered;
	s7 =	simm.s32 $_tile_overlayer_lowered  }
0x9c: {  	s22 =	simm.s32 $0x1BFF;
	s21 =	sshll.u32 s7, $0x1;
	s4 =	sadd.s32 s5, s19  }
0x9d: {  	s8 =	simm.s32 $0x0;
	s20 =	sshll.u32 s6, $0x1;
	s6 =	sadd.s32 s21, s4  }
0x9e: {  	[timem:s8], [sflag:s22] =	dma.local [hbm:s6], s20  }
0x9f: {  	_ =	swait.ge [sflag:s22], s20  }
0xa0: {  	s5 =	ssub.s32 $0x0, s20;
	[sflag:s22] =	ssyncset.done $0x0  }
0xa1: {  	[sflag:s22] =	ssyncadd.s32 s5;
	_ =	sdelay $0x1  }
0xa2: {  	s23 =	simm.s32 $0x1B8B  }
0xa3: {  	_ =	swait.ge [sflag:s23], $0x1  }
0xa4: {  	[sflag:s23] =	ssyncset.done $0x0  }
0xa5: {  	s25 =	simm.s32 $0x1B8E;
	s24 =	sld [smem:$0x3FFE];
	[sflag:s23] =	ssyncadd.s32 $0xFFFFFFFF  }
0xa6: {  	s26 =	simm.s32 $execute0_lowered;
	[smem:$0x3FD2] =	sst s25  }
0xa7: {  	s6 =	sshll.u32 s26, $0x1;
	_ =	strace $0x80000049;
	[dreg:$0x1] =	wrdreg $0xFFFFFFFF  }
0xa8: {  	s28 =	simm.s32 $_size_execute0_lowered;
	s4 =	sadd.s32 s4, s6;
	[dreg:$0x0] =	wrdreg $0x0  }
0xa9: {  	s6 =	sshll.u32 s28, $0x1;
	[dreg:$0x2] =	wrdreg s4  }
0xaa: {  	[dreg:$0x3] =	wrdreg s6  }
0xab: {  	[dreg:$0x4] =	wrdreg $0xC0  }
0xac: {  	_ =	task [dreg:s8], $0x5FFFF  }
0xad: {  	[dreg:$0x1] =	wrdreg $0xFFFFFFFF  }
0xae: {  	[dreg:$0x0] =	wrdreg $0x60  }
0xaf: {  	[dreg:$0x2] =	wrdreg s24  }
0xb0: {  	[dreg:$0x3] =	wrdreg s2  }
0xb1: {  	[dreg:$0x4] =	wrdreg s18  }
0xb2: {  	[dreg:$0x5] =	wrdreg $0x9  }
0xb3: {  	_ =	task.clear_ibuf [dreg:s8], $0x6FFFF;
	_ =	strace $0x90000049  }
0xb4: {  	s29 =	simm.s32 $0x9;
	_ =	strace $0x8000004B  }
0xb5: {  	_ =	swait.ge [sflag:s29], $0x1  }
0xb6: {  	[sflag:s29] =	ssyncadd.s32 $0xFFFFFFFF  }
0xb7: {  	_ =	strace $0x9000004B  }
0xb8: {  	_ =	sfence  }
0xb9: {  	s30 =	sld [smem:$0x0];
	_ =	sdelay $0x2  }
0xba: {  	s31 =	sshll.u32 s1, $0xD;
	s1 =	sshrl.u32 s1, $0x2  }
0xbb: {  	s3 =	sand.u32 $0x4000, s31;
	s1 =	sadd.s32 s1, s30  }
0xbc: {  	s0 =	sor.u32 s3, s0;
	s1 =	sshll.u32 s1, $0x11  }
0xbd: {  	s0 =	sor.u32 s1, s0  }
0xbe: {  	s0 =	sadd.s32 $0x8F2B, s0  }
0xbf: {  	[sflag:s0] =	ssyncadd.remote.s32 $0x1  }
0xc0: {  	_ =	sfence.sel $0xFFFF  }
0xc1: {  	[dreg:$0x0] =	wrdreg $0xFFFFFFFF;
	(pc) =	sbr.abs _section_cstart, $3  }
0xc2: {  	[dreg:$0x1] =	wrdreg $0xFFFFFFFF  }
0xc3: {  	_ =	task.clear_ibuf [dreg:s8], $0x2FFFF;
	_ =	strace $0x9FFFFFFF  }
0xc4: {  	(tm) =	ssettm $0x7FFFFFFF  }
0xc5: {  	_ =	shalt  }
tec
execute0_lowered:
.L_overlay_start_1:
0x0: {  	(tag) =	ssettag $0x1  }
0x1: {  	s3 =	rddreg [dreg:$0x0]  }
0x2: {  	s4 =	rddreg [dreg:$0x1]  }
0x3: {  	s5 =	rddreg [dreg:$0x2]  }
0x4: {  	s2 =	srdreg.scid;
	s1 =	stileid.u32  }
0x5: {  	s0 =	rddreg [dreg:$0x3];
	s6 =	sand.u32 $0x1, s2;
	s7 =	sshll.u32 s1, $0x1  }
0x6: {  	s2 =	simm.s32 $0x0;
	s7 =	sor.u32 s6, s7;
	s6 =	ssub.s32 $0x2, s6  }
0x7: {  	[smem:$0x7FF] =	sst s2;
	s8 =	sshll.u32 s7, $0xD;
	s9 =	sshrl.u32 s6, $0x1  }
0x8: {  	_ =	strace $0x8000004A;
	s31 =	sshll.u32 s7, $0x6;
	s7 =	sshll.u32 s7, $0x7  }
0x9: {  	s3 =	sadd.s32 s8, s3;
	s6 =	ssub.s32 s6, s9;
	s4 =	sadd.s32 s4, s31  }
0xa: {  	v0 =	vlaneseq.u32;
	s5 =	sadd.s32 s5, s7;
	s7 =	simm.s32 $0x1;
	s8 =	simm.s32 $0x10200  }
0xb: {  	v1 =	vimm.s32 $0x0;
	v2 =	vimm.f32 $0.0e+00;
	v3 =	vimm.s32 $0x10;
	s9 =	simm.s32 $0x0;
	s3 =	sadd.s32 $0x3C00, s3;
	s6 =	smax.u32 s6, $0x1  }
.LBB2_1:
0xc: {  	[tilespmem:s2], [sflag:$0x1] =	stream.linear.gather [hbm4b:s3+s2], $0x10000, $0x38;
	[tilespmem:$0x10600] =	vst v63  }
0xd: {  	v5 =	vor.u32 s2, v0;
	_ =	swait.ge [sflag:s7], $0x10000  }
0xe: {  	v4 =	vshll.u32 v5, $0x7;
	[sflag:s7] =	ssyncset.done $0x0  }
0xf: {  	s10 =	simm.s32 $0x10000;
	v6 =	vor.u32 $0x12, v4;
	[sflag:s7] =	ssyncadd.s32 $0xFFFF0000  }
0x10: {  	[tilespmem:s10], [sflag:$0x1] =	stream.linear.gather [hbm4b:s4+s2], $0x200, $0x38;
	[tilespmem:$0x10600] =	vst v63  }
0x11: {  	_ =	swait.ge [sflag:s7], $0x200  }
0x12: {  	[sflag:s7] =	ssyncset.done $0x0  }
0x13: {  	[sflag:s7] =	ssyncadd.s32 $0xFFFFFE00  }
0x14: {  	v6 =	vld.idx.msk [tilespmem:v6+s2+$0x0], $0xffff;
	_ =	sdelay $0x4  }
0x15: {  	vm0 =	vgt.f32 v6, $1.500000000e+00  }
0x16: {  	v6 =	vsel vm0, $0x8, v1  }
0x17: {  	v7 =	vor.u32 v4, v6  }
0x18: {  	v8 =	vor.u32 $0x1, v7  }
0x19: {  	v9 =	vor.u32 $0x2, v7  }
0x1a: {  	v10 =	vor.u32 $0x3, v7  }
0x1b: {  	v11 =	vor.u32 $0x4, v7  }
0x1c: {  	v13 =	vor.u32 $0x5, v7;
	v12 =	vld.idx.msk [tilespmem:v7+s2+$0x0], $0xffff  }
0x1d: {  	v14 =	vor.u32 $0x6, v7;
	v8 =	vld.idx.msk [tilespmem:v8+s2+$0x0], $0xffff  }
0x1e: {  	v7 =	vor.u32 $0x7, v7;
	v9 =	vld.idx.msk [tilespmem:v9+s2+$0x0], $0xffff  }
0x1f: {  	v10 =	vld.idx.msk [tilespmem:v10+s2+$0x0], $0xffff  }
0x20: {  	v11 =	vld.idx.msk [tilespmem:v11+s2+$0x0], $0xffff  }
0x21: {  	v13 =	vld.idx.msk [tilespmem:v13+s2+$0x0], $0xffff  }
0x22: {  	v14 =	vld.idx.msk [tilespmem:v14+s2+$0x0], $0xffff;
	v15 =	vmax.f32 v12, v8  }
0x23: {  	v7 =	vld.idx.msk [tilespmem:v7+s2+$0x0], $0xffff;
	v15 =	vmax.f32 v15, v9  }
0x24: {  	v15 =	vmax.f32 v15, v10  }
0x25: {  	v15 =	vmax.f32 v15, v11  }
0x26: {  	v15 =	vmax.f32 v15, v13  }
0x27: {  	v15 =	vmax.f32 v15, v14  }
0x28: {  	v15 =	vmax.f32 v15, v7  }
0x29: {  	v12 =	vsub.f32 v12, v15;
	_ =	sdelay $0x1  }
0x2a: {  	v12 =	vmul.f32 $1.442695020e+00, v12  }
0x2b: {  	v8 =	vsub.f32 v8, v15  }
0x2c: {  	v9 =	vsub.f32 v9, v15;
	(erf) = vpow2.f32 v12  }
0x2d: {  	v10 =	vsub.f32 v10, v15;
	v8 =	vmul.f32 $1.442695020e+00, v8  }
0x2e: {  	v9 =	vmul.f32 $1.442695020e+00, v9  }
0x2f: {  	(erf) = vpow2.f32 v8;
	v8 =	vmul.f32 $1.442695020e+00, v10;
	v10 =	vsub.f32 v11, v15;
	_ =	sdelay $0x1  }
0x30: {  	(erf) = vpow2.f32 v9;
	v9 =	vmul.f32 $1.442695020e+00, v10  }
0x31: {  	v10 =	vsub.f32 v13, v15;
	_ =	sdelay $0x1  }
0x32: {  	(erf) = vpow2.f32 v8;
	v8 =	vmul.f32 $1.442695020e+00, v10  }
0x33: {  	(erf) = vpow2.f32 v9;
	v9 =	vpop (erf)  }
0x34: {  	v10 =	vsub.f32 v14, v15;
	v9 =	vadd.f32 $0.0e+00, v9  }
0x35: {  	v7 =	vsub.f32 v7, v15  }
0x36: {  	v10 =	vmul.f32 $1.442695020e+00, v10;
	(erf) = vpow2.f32 v8;
	v8 =	vpop (erf)  }
0x37: {  	v7 =	vmul.f32 $1.442695020e+00, v7;
	v8 =	vadd.f32 v9, v8  }
0x38: {  	(erf) = vpow2.f32 v10;
	v9 =	vpop (erf)  }
0x39: {  	v8 =	vadd.f32 v8, v9  }
0x3a: {  	(erf) = vpow2.f32 v7  }
0x3b: {  	v7 =	vpop (erf)  }
0x3c: {  	v7 =	vadd.f32 v8, v7  }
0x3d: {  	v8 =	vpop (erf)  }
0x3e: {  	v7 =	vadd.f32 v7, v8  }
0x3f: {  	v8 =	vpop (erf)  }
0x40: {  	v7 =	vadd.f32 v7, v8  }
0x41: {  	v8 =	vpop (erf)  }
0x42: {  	v7 =	vadd.f32 v7, v8  }
0x43: {  	v8 =	vpop (erf)  }
0x44: {  	v7 =	vadd.f32 v7, v8;
	_ =	sdelay $0x1  }
0x45: {  	v8 =	vand.u32 $0x7FFFFF, v7  }
0x46: {  	v8 =	vor.u32 $0x3F800000, v8  }
0x47: {  	v9 =	vmul.f32 $5.000000000e-01, v8  }
0x48: {  	vm1 =	vgt.f32 v8, $1.414213540e+00  }
0x49: {  	v8 =	vsel vm1, v9, v8  }
0x4a: {  	v9 =	vadd.f32 $1.000000000e+00, v8;
	_ =	sdelay $0x1  }
0x4b: {  	(erf) = vrcp.f32 v9;
	_ =	sdelay $0x7  }
0x4c: {  	v8 =	vadd.f32 $-1.000000000e+00, v8  }
0x4d: {  	v9 =	vpop (erf)  }
0x4e: {  	v8 =	vmul.f32 v9, v8;
	_ =	sdelay $0x1  }
0x4f: {  	v9 =	vmul.f32 v8, v8;
	_ =	sdelay $0x1  }
0x50: {  	v11 =	vld [tilespmem:s10+$0x0];
	v10 =	vmul.f32 $2.857142980e-01, v9;
	_ =	sdelay $0x1  }
0x51: {  	v10 =	vadd.f32 $4.000000060e-01, v10;
	_ =	sdelay $0x1  }
0x52: {  	v10 =	vmul.f32 v10, v9  }
0x53: {  	v6 =	vadd.s32 v6, v11  }
0x54: {  	v11 =	vand.u32 $0xFFFFFF80, v6;
	v7 =	vshra.s32 v7, $0x17;
	v10 =	vadd.f32 $6.666666860e-01, v10  }
0x55: {  	v6 =	vand.u32 $0x7F, v6;
	v11 =	vadd.s32 v4, v11;
	v7 =	vadd.s32 $0xFFFFFF81, v7  }
0x56: {  	v6 =	vor.u32 v6, v11;
	v7 =	vcvt.s32.f32 v7;
	v9 =	vmul.f32 v10, v9  }
0x57: {  	v10 =	vsel vm1, $0x3F800000, v2  }
0x58: {  	v11 =	vsel vm0, $0x11, v3;
	v7 =	vadd.f32 v7, v10;
	v9 =	vadd.f32 $2.000000000e+00, v9  }
0x59: {  	v10 =	vor.u32 v4, v11  }
0x5a: {  	v7 =	vmul.f32 $6.931471820e-01, v7;
	v4 =	vmul.f32 v9, v8  }
0x5b: {  	v6 =	vld.idx.msk [tilespmem:v6+s2+$0x0], $0xffff  }
0x5c: {  	s11 =	simm.s32 $0x10;
	v7 =	vadd.f32 v4, v7  }
0x5d: {  	v9 =	vshll.u32 v5, $0x1;
	v4 =	vor.u32 s11, v0  }
0x5e: {  	v8 =	vld.idx.msk [tilespmem:v10+s2+$0x0], $0xffff;
	s11 =	simm.s32 $0x20;
	v5 =	vshll.u32 v4, $0x7;
	v10 =	vadd.f32 v7, v15;
	v7 =	vor.u32 $0x1, v9  }
.LBB2_2:
0x5f: {  	p0 =	sne.s32 s11, $0x1F0;
	v11 =	vor.u32 $0x12, v5  }
0x60: {  	v6 =	vsub.f32 v6, v10;
	_ =	sdelay $0x1  }
0x61: {  	[tilespmem:v9+s8+$0x0] =	vst.idx.msk $0xffff, v6  }
0x62: {  	[tilespmem:v7+s8+$0x0] =	vst.idx.msk $0xffff, v8  }
0x63: {  	v6 =	vld.idx.msk [tilespmem:v11+s2+$0x0], $0xffff;
	_ =	sdelay $0x5  }
0x64: {  	vm0 =	vgt.f32 v6, $1.500000000e+00  }
0x65: {  	v6 =	vsel vm0, $0x8, v1  }
0x66: {  	v7 =	vor.u32 v5, v6  }
0x67: {  	v8 =	vor.u32 $0x1, v7  }
0x68: {  	v9 =	vor.u32 $0x2, v7  }
0x69: {  	v10 =	vor.u32 $0x3, v7  }
0x6a: {  	v11 =	vor.u32 $0x4, v7  }
0x6b: {  	v13 =	vor.u32 $0x5, v7;
	v12 =	vld.idx.msk [tilespmem:v7+s2+$0x0], $0xffff  }
0x6c: {  	v14 =	vor.u32 $0x6, v7;
	v8 =	vld.idx.msk [tilespmem:v8+s2+$0x0], $0xffff  }
0x6d: {  	v7 =	vor.u32 $0x7, v7;
	v9 =	vld.idx.msk [tilespmem:v9+s2+$0x0], $0xffff  }
0x6e: {  	v10 =	vld.idx.msk [tilespmem:v10+s2+$0x0], $0xffff  }
0x6f: {  	v11 =	vld.idx.msk [tilespmem:v11+s2+$0x0], $0xffff  }
0x70: {  	v13 =	vld.idx.msk [tilespmem:v13+s2+$0x0], $0xffff  }
0x71: {  	v14 =	vld.idx.msk [tilespmem:v14+s2+$0x0], $0xffff  }
0x72: {  	v15 =	vmax.f32 v12, v8;
	v16 =	vld.idx.msk [tilespmem:v7+s2+$0x0], $0xffff  }
0x73: {  	v7 =	vmax.f32 v15, v9  }
0x74: {  	v7 =	vmax.f32 v7, v10  }
0x75: {  	v7 =	vmax.f32 v7, v11  }
0x76: {  	v7 =	vmax.f32 v7, v13  }
0x77: {  	v7 =	vmax.f32 v7, v14  }
0x78: {  	v7 =	vmax.f32 v7, v16  }
0x79: {  	v12 =	vsub.f32 v12, v7;
	_ =	sdelay $0x1  }
0x7a: {  	v8 =	vsub.f32 v8, v7;
	v12 =	vmul.f32 $1.442695020e+00, v12;
	_ =	sdelay $0x1  }
0x7b: {  	v9 =	vsub.f32 v9, v7;
	v8 =	vmul.f32 $1.442695020e+00, v8;
	(erf) = vpow2.f32 v12;
	_ =	sdelay $0x1  }
0x7c: {  	v10 =	vsub.f32 v10, v7;
	v9 =	vmul.f32 $1.442695020e+00, v9;
	(erf) = vpow2.f32 v8;
	_ =	sdelay $0x1  }
0x7d: {  	v8 =	vmul.f32 $1.442695020e+00, v10;
	v10 =	vsub.f32 v11, v7;
	(erf) = vpow2.f32 v9;
	_ =	sdelay $0x1  }
0x7e: {  	v9 =	vmul.f32 $1.442695020e+00, v10;
	v10 =	vsub.f32 v13, v7;
	(erf) = vpow2.f32 v8;
	_ =	sdelay $0x1  }
0x7f: {  	v12 =	vmul.f32 $1.442695020e+00, v10;
	v10 =	vsub.f32 v14, v7;
	(erf) = vpow2.f32 v9  }
0x80: {  	v9 =	vsub.f32 v16, v7;
	v11 =	vpop (erf)  }
0x81: {  	v13 =	vmul.f32 $1.442695020e+00, v10;
	v11 =	vadd.f32 $0.0e+00, v11;
	(erf) = vpow2.f32 v12  }
0x82: {  	v8 =	vpop (erf)  }
0x83: {  	v8 =	vadd.f32 v11, v8;
	v11 =	vmul.f32 $1.442695020e+00, v9;
	(erf) = vpow2.f32 v13  }
0x84: {  	v10 =	vpop (erf)  }
0x85: {  	v8 =	vadd.f32 v8, v10;
	(erf) = vpow2.f32 v11  }
0x86: {  	v9 =	vpop (erf)  }
0x87: {  	v8 =	vadd.f32 v8, v9  }
0x88: {  	v9 =	vpop (erf)  }
0x89: {  	v8 =	vadd.f32 v8, v9  }
0x8a: {  	v9 =	vpop (erf)  }
0x8b: {  	v8 =	vadd.f32 v8, v9  }
0x8c: {  	v9 =	vpop (erf)  }
0x8d: {  	v8 =	vadd.f32 v8, v9  }
0x8e: {  	v9 =	vpop (erf)  }
0x8f: {  	v8 =	vadd.f32 v8, v9;
	_ =	sdelay $0x1  }
0x90: {  	v9 =	vand.u32 $0x7FFFFF, v8  }
0x91: {  	v9 =	vor.u32 $0x3F800000, v9  }
0x92: {  	v10 =	vmul.f32 $5.000000000e-01, v9  }
0x93: {  	vm1 =	vgt.f32 v9, $1.414213540e+00  }
0x94: {  	v9 =	vsel vm1, v10, v9  }
0x95: {  	v10 =	vadd.f32 $1.000000000e+00, v9;
	_ =	sdelay $0x1  }
0x96: {  	(erf) = vrcp.f32 v10;
	_ =	sdelay $0x7  }
0x97: {  	v9 =	vadd.f32 $-1.000000000e+00, v9  }
0x98: {  	v10 =	vpop (erf)  }
0x99: {  	v9 =	vmul.f32 v10, v9;
	_ =	sdelay $0x1  }
0x9a: {  	s10 =	sadd.s32 $0x10, s10;
	v10 =	vmul.f32 v9, v9  }
0x9b: {  	v11 =	vld [tilespmem:s10+$0x0]  }
0x9c: {  	v12 =	vmul.f32 $2.857142980e-01, v10;
	_ =	sdelay $0x1  }
0x9d: {  	v12 =	vadd.f32 $4.000000060e-01, v12;
	_ =	sdelay $0x1  }
0x9e: {  	v12 =	vmul.f32 v12, v10;
	v6 =	vadd.s32 v6, v11  }
0x9f: {  	v11 =	vand.u32 $0xFFFFFF80, v6;
	v6 =	vand.u32 $0x7F, v6  }
0xa0: {  	v8 =	vshra.s32 v8, $0x17;
	v12 =	vadd.f32 $6.666666860e-01, v12;
	v11 =	vadd.s32 v5, v11  }
0xa1: {  	v8 =	vadd.s32 $0xFFFFFF81, v8;
	v6 =	vor.u32 v6, v11  }
0xa2: {  	v8 =	vcvt.s32.f32 v8;
	v10 =	vmul.f32 v12, v10  }
0xa3: {  	v11 =	vsel vm1, $0x3F800000, v2;
	v12 =	vsel vm0, $0x11, v3  }
0xa4: {  	v8 =	vadd.f32 v8, v11;
	v5 =	vor.u32 v5, v12;
	v10 =	vadd.f32 $2.000000000e+00, v10;
	_ =	sdelay $0x1  }
.Ltmp0:
0xa5: {  	v8 =	vmul.f32 $6.931471820e-01, v8;
	v9 =	vmul.f32 v10, v9;
	v6 =	vld.idx.msk [tilespmem:v6+s2+$0x0], $0xffff;
	(pc) =	sbr.rel @p0 .LBB2_2-.Ltmp0, $4  }
0xa6: {  	_ = 	snop  }
0xa7: {  	v10 =	vadd.f32 v9, v8  }
0xa8: {  	v9 =	vshll.u32 v4, $0x1;
	v4 =	vor.u32 s11, v0;
	v8 =	vld.idx.msk [tilespmem:v5+s2+$0x0], $0xffff  }
0xa9: {  	s11 =	sadd.s32 $0x10, s11;
	v5 =	vshll.u32 v4, $0x7;
	v10 =	vadd.f32 v10, v7;
	v7 =	vor.u32 $0x1, v9  }
0xaa: {  	_ = 	snop  }
0xab: {  	v11 =	vor.u32 $0x12, v5  }
0xac: {  	v6 =	vsub.f32 v6, v10;
	_ =	sdelay $0x1  }
0xad: {  	[tilespmem:v9+s8+$0x0] =	vst.idx.msk $0xffff, v6  }
0xae: {  	[tilespmem:v7+s8+$0x0] =	vst.idx.msk $0xffff, v8  }
0xaf: {  	v6 =	vld.idx.msk [tilespmem:v11+s2+$0x0], $0xffff;
	_ =	sdelay $0x4  }
0xb0: {  	vm0 =	vgt.f32 v6, $1.500000000e+00  }
0xb1: {  	v6 =	vsel vm0, $0x8, v1  }
0xb2: {  	v39 =	vor.u32 v5, v6  }
0xb3: {  	v40 =	vor.u32 $0x1, v39  }
0xb4: {  	v41 =	vor.u32 $0x2, v39  }
0xb5: {  	v42 =	vor.u32 $0x3, v39  }
0xb6: {  	v43 =	vor.u32 $0x4, v39  }
0xb7: {  	v13 =	vor.u32 $0x5, v39;
	v12 =	vld.idx.msk [tilespmem:v39+s2+$0x0], $0xffff  }
0xb8: {  	v14 =	vor.u32 $0x6, v39;
	v8 =	vld.idx.msk [tilespmem:v40+s2+$0x0], $0xffff  }
0xb9: {  	v7 =	vor.u32 $0x7, v39;
	v9 =	vld.idx.msk [tilespmem:v41+s2+$0x0], $0xffff  }
0xba: {  	v10 =	vld.idx.msk [tilespmem:v42+s2+$0x0], $0xffff  }
0xbb: {  	v11 =	vld.idx.msk [tilespmem:v43+s2+$0x0], $0xffff  }
0xbc: {  	v13 =	vld.idx.msk [tilespmem:v13+s2+$0x0], $0xffff  }
0xbd: {  	v14 =	vld.idx.msk [tilespmem:v14+s2+$0x0], $0xffff;
	v15 =	vmax.f32 v12, v8  }
0xbe: {  	v7 =	vld.idx.msk [tilespmem:v7+s2+$0x0], $0xffff;
	v15 =	vmax.f32 v15, v9  }
0xbf: {  	v15 =	vmax.f32 v15, v10  }
0xc0: {  	v15 =	vmax.f32 v15, v11  }
0xc1: {  	v15 =	vmax.f32 v15, v13  }
0xc2: {  	v15 =	vmax.f32 v15, v14  }
0xc3: {  	v15 =	vmax.f32 v15, v7  }
0xc4: {  	v12 =	vsub.f32 v12, v15;
	_ =	sdelay $0x1  }
0xc5: {  	v8 =	vsub.f32 v8, v15;
	v12 =	vmul.f32 $1.442695020e+00, v12;
	_ =	sdelay $0x1  }
0xc6: {  	v9 =	vsub.f32 v9, v15;
	v8 =	vmul.f32 $1.442695020e+00, v8;
	(erf) = vpow2.f32 v12;
	_ =	sdelay $0x1  }
0xc7: {  	v10 =	vsub.f32 v10, v15;
	v9 =	vmul.f32 $1.442695020e+00, v9;
	(erf) = vpow2.f32 v8;
	_ =	sdelay $0x1  }
0xc8: {  	v45 =	vsub.f32 v11, v15;
	v44 =	vmul.f32 $1.442695020e+00, v10;
	(erf) = vpow2.f32 v9;
	_ =	sdelay $0x1  }
0xc9: {  	v47 =	vsub.f32 v13, v15;
	v46 =	vmul.f32 $1.442695020e+00, v45;
	(erf) = vpow2.f32 v44;
	_ =	sdelay $0x1  }
0xca: {  	v49 =	vsub.f32 v14, v15;
	v48 =	vmul.f32 $1.442695020e+00, v47;
	(erf) = vpow2.f32 v46  }
0xcb: {  	v7 =	vsub.f32 v7, v15;
	v50 =	vpop (erf)  }
0xcc: {  	v10 =	vmul.f32 $1.442695020e+00, v49;
	(erf) = vpow2.f32 v48;
	v9 =	vadd.f32 $0.0e+00, v50  }
0xcd: {  	v51 =	vpop (erf)  }
0xce: {  	v7 =	vmul.f32 $1.442695020e+00, v7;
	(erf) = vpow2.f32 v10;
	v8 =	vadd.f32 v9, v51  }
0xcf: {  	v52 =	vpop (erf)  }
0xd0: {  	(erf) = vpow2.f32 v7;
	v8 =	vadd.f32 v8, v52  }
0xd1: {  	v53 =	vpop (erf)  }
0xd2: {  	v7 =	vadd.f32 v8, v53  }
0xd3: {  	v54 =	vpop (erf)  }
0xd4: {  	v7 =	vadd.f32 v7, v54  }
0xd5: {  	v55 =	vpop (erf)  }
0xd6: {  	v7 =	vadd.f32 v7, v55  }
0xd7: {  	v56 =	vpop (erf)  }
0xd8: {  	v7 =	vadd.f32 v7, v56  }
0xd9: {  	v57 =	vpop (erf)  }
0xda: {  	v7 =	vadd.f32 v7, v57;
	_ =	sdelay $0x1  }
0xdb: {  	v8 =	vand.u32 $0x7FFFFF, v7  }
0xdc: {  	v8 =	vor.u32 $0x3F800000, v8  }
0xdd: {  	v58 =	vmul.f32 $5.000000000e-01, v8  }
0xde: {  	vm1 =	vgt.f32 v8, $1.414213540e+00  }
0xdf: {  	v8 =	vsel vm1, v58, v8  }
0xe0: {  	v9 =	vadd.f32 $1.000000000e+00, v8;
	_ =	sdelay $0x1  }
0xe1: {  	(erf) = vrcp.f32 v9;
	_ =	sdelay $0x7  }
0xe2: {  	v8 =	vadd.f32 $-1.000000000e+00, v8  }
0xe3: {  	v9 =	vpop (erf)  }
0xe4: {  	v8 =	vmul.f32 v9, v8;
	_ =	sdelay $0x1  }
0xe5: {  	v9 =	vmul.f32 v8, v8  }
0xe6: {  	s10 =	sadd.s32 $0x10, s10  }
0xe7: {  	v59 =	vld [tilespmem:s10+$0x0];
	v60 =	vmul.f32 $2.857142980e-01, v9;
	_ =	sdelay $0x1  }
0xe8: {  	v11 =	vadd.f32 $4.000000060e-01, v60;
	_ =	sdelay $0x1  }
0xe9: {  	v11 =	vmul.f32 v11, v9  }
0xea: {  	v6 =	vadd.s32 v6, v59  }
0xeb: {  	v10 =	vand.u32 $0xFFFFFF80, v6;
	v7 =	vshra.s32 v7, $0x17;
	v11 =	vadd.f32 $6.666666860e-01, v11  }
0xec: {  	v6 =	vand.u32 $0x7F, v6;
	v10 =	vadd.s32 v5, v10;
	v7 =	vadd.s32 $0xFFFFFF81, v7  }
0xed: {  	v6 =	vor.u32 v6, v10;
	v7 =	vcvt.s32.f32 v7;
	v9 =	vmul.f32 v11, v9  }
0xee: {  	v61 =	vsel vm1, $0x3F800000, v2  }
0xef: {  	v62 =	vsel vm0, $0x11, v3;
	v7 =	vadd.f32 v7, v61;
	v9 =	vadd.f32 $2.000000000e+00, v9  }
0xf0: {  	v5 =	vor.u32 v5, v62  }
0xf1: {  	v7 =	vmul.f32 $6.931471820e-01, v7;
	v8 =	vmul.f32 v9, v8  }
0xf2: {  	v6 =	vld.idx.msk [tilespmem:v6+s2+$0x0], $0xffff  }
0xf3: {  	v7 =	vadd.f32 v8, v7  }
0xf4: {  	v4 =	vshll.u32 v4, $0x1  }
0xf5: {  	v63 =	vor.u32 $0x1, v4;
	v5 =	vld.idx.msk [tilespmem:v5+s2+$0x0], $0xffff;
	v7 =	vadd.f32 v7, v15;
	_ =	sdelay $0x1  }
0xf6: {  	v6 =	vsub.f32 v6, v7  }
0xf7: {  	s9 =	sadd.s32 $0x1, s9  }
0xf8: {  	p0 =	sne.s32 s9, s6;
	[tilespmem:v4+s8+$0x0] =	vst.idx.msk $0xffff, v6  }
.Ltmp1:
0xf9: {  	[tilespmem:v63+s8+$0x0] =	vst.idx.msk $0xffff, v5;
	(pc) =	sbr.rel @p0 .LBB2_1-.Ltmp1, $4  }
0xfa: {  	[hbm4b:s5+s2] =	stream.linear.scatter [tilespmem:s8], [sflag:$0x1], $0x400, $0x38;
	[tilespmem:$0x10600] =	vst v63  }
0xfb: {  	_ =	swait.ge [sflag:s7], $0x400  }
0xfc: {  	[sflag:s7] =	ssyncset.done $0x0  }
0xfd: {  	[sflag:s7] =	ssyncadd.s32 $0xFFFFFC00  }
0xfe: {  	_ =	sfence.sel $0x180000  }
0xff: {  	[bflag:$0x0] =	sbarrier.arrive $0xFFFF  }
0x100: {  	p0 =	sne.s32 s1, $0x0;
	_ =	strace $0x9000004A  }
0x101: {  	s0 =	sadd.s32 @!p0 $0x100000, s0;
	[bflag:$0x2] =	sbarrier.arrive $0xFFFF  }
0x102: {  	[sflag:s0] =	ssyncadd.tile.s32 @!p0 $0x1;
	_ =	shalt  }
.Lfunc_end2:
_tile_overlayer_lowered:
.L_overlay_start_2:
0x103: {  	(tag) =	ssettag $0x2  }
0x104: {  	s0 =	rddreg [dreg:$0x0];
	s2 =	stileid.u32  }
0x105: {  	s1 =	rddreg [dreg:$0x1];
	p0 =	sne.s32 s2, $0x0  }
0x106: {  	s3 =	rddreg [dreg:$0x2];
	[bflag:$0x3] =	sbarrier.arrive $0xFFFF;
	s2 =	simm.s32 @!p0 $0x1C01  }
0x107: {  	[timem:s3], [sflag:s2] =	dma.local @!p0 [hbm:s0], s1  }
0x108: {  	s0 =	simm.s32 @!p0 $0x1  }
0x109: {  	_ =	swait.ge @!p0 [sflag:s0], s1  }
0x10a: {  	s1 =	ssub.s32 @!p0 $0x0, s1;
	[sflag:s0] =	ssyncset.done @!p0 $0x0  }
0x10b: {  	[sflag:s0] =	ssyncadd.s32 @!p0 s1  }
0x10c: {  	[bflag:$0x3] =	sbarrier.arrive $0xFFFF  }
0x10d: {  	_ =	shalt  }

// kernel: sparse-core-data-format-call.cloned.1.call-start
scs
called_computation_lowered:
.L_overlay_start_0:
0x0: {  	s1 =	sld [smem:$0x3FD9]  }
0x1: {  	s2 =	sld [smem:$0x3FFE];
	_ =	sdelay $0x1  }
0x2: {  	s3 =	srdreg.scid  }
0x3: {  	s0 =	sand.u32 $0x1, s3  }
0x4: {  	s17 =	sshll.u32 s0, $0xA;
	s1 =	sadd.s32 s2, s1  }
0x5: {  	s1 =	sadd.s32 s1, s17  }
0x6: {  	[smem:$0x3FAE] =	sst s1  }
0x7: {  	_ = 	snop  }
0x8: {  	(tm) =	ssettm $0x1  }
0x9: {  	s18 =	sld [smem:$0x3FFB];
	_ =	sdelay $0x3  }
0xa: {  	_ =	strace s18  }
0xb: {  	s1 =	sld [smem:$0x3FFC];
	_ =	sdelay $0x3  }
0xc: {  	_ =	strace s1  }
0xd: {  	s1 =	sld [smem:$0x3FFD];
	_ =	sdelay $0x3  }
0xe: {  	_ =	strace s1  }
0xf: {  	_ =	strace $0x8FFFFFFF  }
0x10: {  	s19 =	sld [smem:$0x3FDB];
	_ =	sdelay $0x1  }
0x11: {  	s20 =	simm.s32 $_scs_section_size  }
0x12: {  	s4 =	simm.s32 $_size__tile_overlayer_lowered;
	s5 =	simm.s32 $_tile_overlayer_lowered  }
0x13: {  	s23 =	simm.s32 $0x1BFF;
	s22 =	sshll.u32 s5, $0x1;
	s1 =	sadd.s32 s20, s19  }
0x14: {  	s6 =	simm.s32 $0x0;
	s21 =	sshll.u32 s4, $0x1;
	s4 =	sadd.s32 s22, s1  }
0x15: {  	[timem:s6], [sflag:s23] =	dma.local [hbm:s4], s21  }
0x16: {  	_ =	swait.ge [sflag:s23], s21  }
0x17: {  	s2 =	ssub.s32 $0x0, s21;
	[sflag:s23] =	ssyncset.done $0x0  }
0x18: {  	[sflag:s23] =	ssyncadd.s32 s2;
	_ =	sdelay $0x1  }
0x19: {  	s24 =	simm.s32 $0x1B8B  }
0x1a: {  	_ =	swait.ge [sflag:s24], $0x1  }
0x1b: {  	[sflag:s24] =	ssyncset.done $0x0  }
0x1c: {  	s26 =	simm.s32 $0x1B8E;
	s25 =	sld [smem:$0x3FFE];
	[sflag:s24] =	ssyncadd.s32 $0xFFFFFFFF  }
0x1d: {  	s27 =	simm.s32 $execute0_lowered;
	[smem:$0x3FD2] =	sst s26  }
0x1e: {  	s4 =	sshll.u32 s27, $0x1;
	_ =	strace $0x80000046;
	[dreg:$0x1] =	wrdreg $0xFFFFFFFF  }
0x1f: {  	s28 =	simm.s32 $_size_execute0_lowered;
	s1 =	sadd.s32 s1, s4;
	[dreg:$0x0] =	wrdreg $0x0  }
0x20: {  	s4 =	sshll.u32 s28, $0x1;
	[dreg:$0x2] =	wrdreg s1  }
0x21: {  	[dreg:$0x3] =	wrdreg s4  }
0x22: {  	[dreg:$0x4] =	wrdreg $0xC0  }
0x23: {  	_ =	task [dreg:s6], $0x5FFFF  }
0x24: {  	[dreg:$0x1] =	wrdreg $0xFFFFFFFF  }
0x25: {  	[dreg:$0x0] =	wrdreg $0x60  }
0x26: {  	[dreg:$0x2] =	wrdreg s25  }
0x27: {  	[dreg:$0x3] =	wrdreg $0x9  }
0x28: {  	_ =	task.clear_ibuf [dreg:s6], $0x4FFFF;
	_ =	strace $0x90000046  }
0x29: {  	s29 =	simm.s32 $0x9;
	_ =	strace $0x80000048  }
0x2a: {  	_ =	swait.ge [sflag:s29], $0x1  }
0x2b: {  	[sflag:s29] =	ssyncadd.s32 $0xFFFFFFFF  }
0x2c: {  	_ =	strace $0x90000048  }
0x2d: {  	_ =	sfence  }
0x2e: {  	s30 =	sld [smem:$0x0];
	_ =	sdelay $0x2  }
0x2f: {  	s31 =	sshll.u32 s3, $0xD;
	s3 =	sshrl.u32 s3, $0x2  }
0x30: {  	s2 =	sand.u32 $0x4000, s31;
	s1 =	sadd.s32 s3, s30  }
0x31: {  	s0 =	sor.u32 s2, s0;
	s1 =	sshll.u32 s1, $0x11  }
0x32: {  	s0 =	sor.u32 s1, s0  }
0x33: {  	s0 =	sadd.s32 $0x8F2B, s0  }
0x34: {  	[sflag:s0] =	ssyncadd.remote.s32 $0x1  }
0x35: {  	_ =	sfence.sel $0xFFFF  }
0x36: {  	[dreg:$0x0] =	wrdreg $0xFFFFFFFF;
	(pc) =	sbr.abs _section_cstart, $3  }
0x37: {  	[dreg:$0x1] =	wrdreg $0xFFFFFFFF  }
0x38: {  	_ =	task.clear_ibuf [dreg:s6], $0x2FFFF;
	_ =	strace $0x9FFFFFFF  }
0x39: {  	(tm) =	ssettm $0x7FFFFFFF  }
tec
execute0_lowered:
.L_overlay_start_1:
0x0: {  	(tag) =	ssettag $0x1  }
0x1: {  	s0 =	srdreg.scid  }
0x2: {  	s1 =	sshll.u32 s0, $0x4  }
0x3: {  	s0 =	stileid.u32;
	s1 =	sand.u32 $0x10, s1  }
0x4: {  	s6 =	rddreg [dreg:$0x0];
	s1 =	sor.u32 s0, s1  }
0x5: {  	s4 =	simm.s32 $0x1;
	s7 =	simm.s32 $0x2;
	s2 =	sshll.u32 s1, $0x8  }
0x6: {  	s14 =	simm.s32 $0x0;
	s12 =	simm.s32 $0x0;
	s3 =	ssub.s32 $0x4000, s2  }
0x7: {  	s13 =	simm.s32 $0x0;
	s9 =	simm.s32 $0x0;
	s31 =	sand.u32 $0x1F00, s3  }
0x8: {  	s10 =	simm.s32 $0x0;
	s11 =	simm.s32 $0x0;
	p0 =	sne.s32 s31, $0x0  }
.Ltmp0:
0x9: {  	s3 =	sshrl.u32 s3, $0xD;
	s4 =	simm.s32 @!p0 $0x0;
	(pc) =	sbr.rel .LBB1_1-.Ltmp0, $4  }
0xa: {  	s1 =	rddreg [dreg:$0x1];
	_ =	strace $0x80000047;
	s5 =	sadd.s32 s4, s3  }
0xb: {  	s8 =	smov.u32 s2;
	s4 =	simm.s32 $0x1;
	s5 =	smul.u32 $0xC, s5  }
0xc: {  	p0 =	por $0x0, $0x0;
	s3 =	sadd.s32 $0x3C00, s6;
	[sflag:s4] =	ssyncpa.u1 $0x0  }
0xd: {  	s6 =	sadd.s32 $0x183C00, s6;
	[sflag:s7] =	ssyncpa.u1 $0x0;
	s7 =	sor.u32 $0x1, s5  }
.LBB1_4:
0xe: {  	[tilespmem:s18+$0x1 ss:$0x81] =	vst.msk $0xffff, v11;
	v7 =	vcombine.high v7, v9;
	v4 =	vperm.xlane.i2c.b16 v4;
	v48 =	vld [tilespmem:s17+$0x230]  }
0xf: {  	[tilespmem:s18+$0x810 ss:$0x81] =	vst.msk $0xffff, v12;
	v49 =	vcombine.low v8, v10;
	v2 =	vperm.xlane.i2c.b16 v2;
	v50 =	vld [tilespmem:s17+$0x240]  }
0x10: {  	v51 =	vcombine.high v8, v10;
	v52 =	vld [tilespmem:s17+$0x250];
	v0 =	vcombine.high v0, v1;
	[tilespmem:s18+$0x811 ss:$0x81] =	vst.msk $0xffff, v7  }
0x11: {  	v5 =	vperm.xlane.i2c.b16 v5;
	v3 =	vperm.xlane.i2c.b16 v3;
	[tilespmem:s18+$0x1020 ss:$0x81] =	vst.msk $0xffff, v49  }
0x12: {  	v54 =	vperm.xlane.i2c.b16 v6;
	v53 =	vcombine.low v4, v2;
	[tilespmem:s15+$0x3061 ss:$0x81] =	vst.msk $0xffff, v0  }
0x13: {  	v2 =	vcombine.high v4, v2;
	v55 =	vcombine.low v5, v3;
	[tilespmem:s18+$0x1021 ss:$0x81] =	vst.msk $0xffff, v51  }
0x14: {  	s14 =	sshll.u32 s14, $0x7;
	s16 =	sshll.u32 s12, $0x3;
	v57 =	vcombine.high v5, v3;
	[tilespmem:s18+$0x1830 ss:$0x81] =	vst.msk $0xffff, v53;
	v56 =	vperm.xlane.i2c.b16 v48  }
0x15: {  	s26 =	sand.u32 $0x1FFC00, s14;
	s16 =	sand.u32 $0x1FFC00, s16;
	[tilespmem:s18+$0x2040 ss:$0x81] =	vst.msk $0xffff, v55;
	v58 =	vperm.xlane.i2c.b16 v50;
	v60 =	vperm.xlane.i2c.b16 v52  }
0x16: {  	s27 =	sshll.u32 s12, $0x1;
	s14 =	sand.u32 $0x300, s14;
	s16 =	sadd.s32 s16, s26;
	[tilespmem:s18+$0x1831 ss:$0x81] =	vst.msk $0xffff, v2;
	v59 =	vcombine.low v54, v56  }
0x17: {  	s28 =	sand.u32 $0x80, s27;
	s14 =	sor.u32 s14, s16;
	[tilespmem:s18+$0x2041 ss:$0x81] =	vst.msk $0xffff, v57;
	v62 =	vcombine.low v58, v60  }
0x18: {  	s13 =	sshll.u32 s13, $0x11;
	s29 =	sshrl.u32 s12, $0x3;
	s14 =	sor.u32 s28, s14;
	v61 =	vcombine.high v54, v56;
	[tilespmem:s18+$0x2850 ss:$0x81] =	vst.msk $0xffff, v59  }
0x19: {  	s30 =	sand.u32 $0x7, s29;
	s13 =	sadd.s32 s6, s13;
	s14 =	sshrl.u32 s14, $0x4;
	v63 =	vcombine.high v58, v60;
	[tilespmem:s18+$0x3060 ss:$0x81] =	vst.msk $0xffff, v62  }
0x1a: {  	s13 =	sadd.s32 s30, s13;
	s14 =	sand.u32 $0x1FFF8, s14;
	[tilespmem:s18+$0x2851 ss:$0x81] =	vst.msk $0xffff, v61  }
0x1b: {  	s31 =	sand.u32 $0x7, s12;
	s13 =	sadd.s32 s14, s13;
	[tilespmem:s18+$0x3061 ss:$0x81] =	vst.msk $0xffff, v63  }
0x1c: {  	[hbm4b:s13+s31] =	stream.linear.scatter [tilespmem:s20], [sflag:$0x2], $0x4000, $0x20;
	[tilespmem:$0x10100] =	vst v63  }
.LBB1_5:
0x1d: {  	s15 =	sadd.s32 $0x2000, s8  }
0x1e: {  	s12 =	sadd.s32 $0x80, s9;
	s16 =	smov.u32 s9;
	p2 =	sgt.s32 s15, $0x3FFF  }
0x1f: {  	s16 =	smov.u32 @p2 s12  }
0x20: {  	s12 =	simm.s32 $0x1;
	p3 =	sgt.s32 s16, $0x7F  }
0x21: {  	s12 =	simm.s32 @!p3 $0x0  }
0x22: {  	s18 =	sadd.s32 s12, s10  }
0x23: {  	s15 =	smov.u32 @p2 s2;
	p2 =	sgt.s32 s18, $0xB  }
0x24: {  	p1 =	slt.u32 s11, $0x2;
	s18 =	simm.s32 @p2 $0x0;
	p2 =	sne.s32 s11, s7  }
.Ltmp1:
0x25: {  	s17 =	simm.s32 @!p1 $0x2;
	(pc) =	sbr.rel @!p2 .LBB1_6-.Ltmp1, $4  }
0x26: {  	s14 =	smov.u32 s8;
	s13 =	smov.u32 s10;
	_ =	swait.ge @!p1 [sflag:s17], $0x4000  }
0x27: {  	p0 =	por !p0, !p0;
	[sflag:s17] =	ssyncset.done @!p1 $0x0;
	s8 =	smov.u32 s15  }
0x28: {  	s16 =	simm.s32 @p3 $0x0;
	[sflag:s17] =	ssyncadd.s32 @!p1 $0xFFFFC000;
	s12 =	smov.u32 s9  }
0x29: {  	s9 =	smov.u32 s16;
	s11 =	sadd.s32 $0x1, s11;
	s10 =	smov.u32 s18  }
.LBB1_1:
0x2a: {  	p1 =	sge.u32 s11, s5  }
0x2b: {  	s31 =	sadd.s32 $0xFFFFFFFF, s11;
	s15 =	sshll.u32 @!p1 s9, $0xE  }
0x2c: {  	s16 =	sxor.u32 @!p1 $0xFFFFFFFF, s11;
	s17 =	sshll.u32 @!p1 s8, $0x3;
	s18 =	sshll.u32 @!p1 s9, $0x7  }
0x2d: {  	s19 =	sshll.u32 @!p1 s8, $0x1;
	s15 =	sand.u32 @!p1 $0x1E0000, s15;
	s18 =	sand.u32 @!p1 $0x300, s18  }
0x2e: {  	s19 =	sand.u32 @!p1 $0xF0, s19;
	s15 =	sadd.s32 @!p1 s15, s17;
	s17 =	sand.u32 @!p1 $0x3C00, s17  }
0x2f: {  	s17 =	sor.u32 @!p1 s18, s17;
	s18 =	sshll.u32 @!p1 s10, $0x11;
	s15 =	sshrl.u32 @!p1 s15, $0x4  }
0x30: {  	s17 =	sor.u32 @!p1 s19, s17;
	s15 =	sand.u32 @!p1 $0x1FC00, s15;
	s18 =	sadd.s32 @!p1 s3, s18  }
0x31: {  	s17 =	sshrl.u32 @!p1 s17, $0x4;
	s15 =	sadd.s32 @!p1 s15, s18;
	s18 =	sand.u32 @!p1 $0x7, s8  }
0x32: {  	s16 =	sshll.u32 @!p1 s16, $0xE;
	s15 =	sadd.s32 @!p1 s17, s15;
	s17 =	sshll.u32 @!p1 s18, $0x12  }
0x33: {  	s16 =	sand.u32 @!p1 $0x4000, s16;
	s18 =	simm.s32 @!p1 $0x10000;
	s17 =	sor.u32 @!p1 $0x400, s17  }
0x34: {  	[tilespmem:s16], [sflag:$0x1] =	stream.strided.gather @!p1 [hbm4b:s15+s17], $0x4000, s18, s17, $0x38;
	[tilespmem:$0x10100] =	vst v63  }
0x35: {  	p1 =	sge.u32 s31, s5  }
.Ltmp2:
0x36: {  	_ = 	snop;
	(pc) =	sbr.rel @p1 .LBB1_5-.Ltmp2, $1  }
0x37: {  	_ =	sdelay $0x3  }
0x38: {  	s18 =	sand.u32 $0x1, s11;
	s15 =	simm.s32 $0x0  }
0x39: {  	_ =	swait.ge [sflag:s4], $0x4000;
	s16 =	sshll.u32 s18, $0xE;
	s17 =	sand.u32 $0x3C00, s15  }
0x3a: {  	[sflag:s4] =	ssyncset.done $0x0;
	s15 =	sand.u32 $0x180, s15;
	s17 =	sadd.s32 s17, s16  }
0x3b: {  	[sflag:s4] =	ssyncadd.s32 $0xFFFFC000;
	s20 =	sadd.s32 s15, s17  }
0x3c: {  	v0 =	vld [tilespmem:s20+$0x260]  }
0x3d: {  	v1 =	vld [tilespmem:s20+$0x270]  }
0x3e: {  	v2 =	vld [tilespmem:s20+$0x0]  }
0x3f: {  	v3 =	vld [tilespmem:s20+$0x10]  }
0x40: {  	v4 =	vld [tilespmem:s20+$0x20]  }
0x41: {  	s15 =	simm.s32 $0x1;
	v5 =	vld [tilespmem:s20+$0x30]  }
0x42: {  	s15 =	simm.s32 @!p0 $0x0;
	v6 =	vld [tilespmem:s20+$0x40]  }
0x43: {  	v7 =	vld [tilespmem:s20+$0x50];
	s15 =	smul.u32 $0x10200, s15;
	v1 =	vperm.xlane.i2c.b16 v1;
	v0 =	vperm.xlane.i2c.b16 v0  }
0x44: {  	v8 =	vld [tilespmem:s20+$0x60];
	v2 =	vperm.xlane.i2c.b16 v2;
	v3 =	vperm.xlane.i2c.b16 v3  }
0x45: {  	v10 =	vld [tilespmem:s20+$0x70];
	s15 =	sshrl.u32 s15, $0x2;
	v9 =	vcombine.low v0, v1;
	v0 =	vcombine.high v0, v1  }
0x46: {  	s15 =	sor.u32 $0x8000, s15;
	v1 =	vperm.xlane.i2c.b16 v5;
	v5 =	vld [tilespmem:s20+$0x200];
	v11 =	vcombine.low v2, v3  }
0x47: {  	v4 =	vperm.xlane.i2c.b16 v4;
	v2 =	vcombine.high v2, v3;
	v3 =	vld [tilespmem:s20+$0x210];
	[tilespmem:s15+$0x3870 ss:$0x81] =	vst.msk $0xffff, v9  }
0x48: {  	s30 =	simm.s32 $0x100;
	v6 =	vperm.xlane.i2c.b16 v6;
	v7 =	vperm.xlane.i2c.b16 v7;
	v9 =	vld [tilespmem:s20+$0x220];
	[tilespmem:s15+$0x0 ss:$0x81] =	vst.msk $0xffff, v11  }
0x49: {  	s19 =	simm.s32 $0x80;
	s17 =	sand.u32 $0x3C00, s30;
	[tilespmem:s15+$0x3871 ss:$0x81] =	vst.msk $0xffff, v0;
	v0 =	vcombine.low v4, v1;
	v1 =	vcombine.high v4, v1;
	v4 =	vld [tilespmem:s20+$0x230]  }
0x4a: {  	s21 =	sand.u32 $0x180, s19;
	s17 =	sadd.s32 s17, s16;
	[tilespmem:s15+$0x1 ss:$0x81] =	vst.msk $0xffff, v2;
	v2 =	vperm.xlane.i2c.b16 v8;
	v8 =	vperm.xlane.i2c.b16 v10;
	v10 =	vld [tilespmem:s20+$0x240]  }
0x4b: {  	s17 =	sadd.s32 s21, s17;
	[tilespmem:s15+$0x810 ss:$0x81] =	vst.msk $0xffff, v0;
	v0 =	vcombine.low v6, v7;
	v6 =	vcombine.high v6, v7;
	v7 =	vld [tilespmem:s20+$0x250]  }
0x4c: {  	v11 =	vcombine.low v2, v8;
	v2 =	vcombine.high v2, v8;
	v8 =	vld [tilespmem:s17+$0x0];
	[tilespmem:s15+$0x811 ss:$0x81] =	vst.msk $0xffff, v1  }
0x4d: {  	v1 =	vperm.xlane.i2c.b16 v5;
	v5 =	vld [tilespmem:s17+$0x260];
	[tilespmem:s15+$0x1020 ss:$0x81] =	vst.msk $0xffff, v0;
	v0 =	vperm.xlane.i2c.b16 v3  }
0x4e: {  	v3 =	vld [tilespmem:s17+$0x270];
	[tilespmem:s15+$0x1021 ss:$0x81] =	vst.msk $0xffff, v6;
	v6 =	vperm.xlane.i2c.b16 v9  }
0x4f: {  	[tilespmem:s15+$0x1830 ss:$0x81] =	vst.msk $0xffff, v11;
	v11 =	vld [tilespmem:s17+$0x10];
	v4 =	vperm.xlane.i2c.b16 v4;
	v9 =	vcombine.low v1, v0  }
0x50: {  	v12 =	vcombine.high v1, v0;
	v0 =	vperm.xlane.i2c.b16 v10  }
0x51: {  	[tilespmem:s15+$0x1831 ss:$0x81] =	vst.msk $0xffff, v2;
	v2 =	vld [tilespmem:s17+$0x20];
	v10 =	vcombine.low v6, v4;
	v1 =	vperm.xlane.i2c.b16 v7  }
0x52: {  	v4 =	vcombine.high v6, v4;
	v8 =	vperm.xlane.i2c.b16 v8;
	[tilespmem:s15+$0x2040 ss:$0x81] =	vst.msk $0xffff, v9;
	v9 =	vld [tilespmem:s17+$0x30]  }
0x53: {  	v6 =	vld [tilespmem:s17+$0x40];
	v5 =	vperm.xlane.i2c.b16 v5;
	[tilespmem:s15+$0x2041 ss:$0x81] =	vst.msk $0xffff, v12;
	v3 =	vperm.xlane.i2c.b16 v3  }
0x54: {  	[tilespmem:s15+$0x2850 ss:$0x81] =	vst.msk $0xffff, v10;
	v10 =	vld [tilespmem:s17+$0x50];
	v12 =	vcombine.low v0, v1;
	v11 =	vperm.xlane.i2c.b16 v11  }
0x55: {  	[tilespmem:s15+$0x2851 ss:$0x81] =	vst.msk $0xffff, v4;
	v4 =	vld [tilespmem:s17+$0x60];
	v13 =	vcombine.low v5, v3  }
0x56: {  	s31 =	smul.u32 $0x10200, s18;
	s18 =	sadd.s32 $0x2, s15;
	v7 =	vperm.xlane.i2c.b16 v2;
	v2 =	vld [tilespmem:s17+$0x70];
	[tilespmem:s15+$0x3060 ss:$0x81] =	vst.msk $0xffff, v12;
	v12 =	vcombine.low v8, v11  }
0x57: {  	v14 =	vcombine.high v5, v3;
	v5 =	vld [tilespmem:s17+$0x200];
	v9 =	vperm.xlane.i2c.b16 v9;
	[tilespmem:s18+$0x3870 ss:$0x81] =	vst.msk $0xffff, v13  }
0x58: {  	s20 =	sshrl.u32 s31, $0x2;
	v11 =	vcombine.high v8, v11;
	v3 =	vld [tilespmem:s17+$0x210];
	v8 =	vperm.xlane.i2c.b16 v6;
	[tilespmem:s18+$0x0 ss:$0x81] =	vst.msk $0xffff, v12  }
0x59: {  	s22 =	simm.s32 $0x200;
	s21 =	simm.s32 $0x2;
	s20 =	sor.u32 $0x8000, s20;
	v6 =	vld [tilespmem:s17+$0x220];
	[tilespmem:s18+$0x3871 ss:$0x81] =	vst.msk $0xffff, v14;
	v10 =	vperm.xlane.i2c.b16 v10;
	v12 =	vcombine.low v7, v9  }
.LBB1_3:
0x5a: {  	s23 =	sand.u32 $0x3C00, s22;
	[tilespmem:s18+$0x1 ss:$0x81] =	vst.msk $0xffff, v11;
	v7 =	vcombine.high v7, v9;
	v4 =	vperm.xlane.i2c.b16 v4;
	v9 =	vld [tilespmem:s17+$0x230];
	s19 =	sadd.s32 $0x80, s19  }
0x5b: {  	v11 =	vcombine.low v8, v10;
	v2 =	vperm.xlane.i2c.b16 v2;
	s24 =	sand.u32 $0x180, s19;
	s23 =	sadd.s32 s23, s16;
	[tilespmem:s18+$0x810 ss:$0x81] =	vst.msk $0xffff, v12;
	v12 =	vld [tilespmem:s17+$0x240]  }
0x5c: {  	s21 =	sadd.s32 $0x2, s21;
	v5 =	vperm.xlane.i2c.b16 v5;
	[tilespmem:s18+$0x811 ss:$0x81] =	vst.msk $0xffff, v7;
	v7 =	vcombine.high v8, v10;
	v8 =	vld [tilespmem:s17+$0x250];
	s17 =	sadd.s32 s24, s23  }
0x5d: {  	v3 =	vperm.xlane.i2c.b16 v3;
	p1 =	slt.u32 s21, $0x7E;
	v10 =	vld [tilespmem:s17+$0x260];
	[tilespmem:s18+$0x1020 ss:$0x81] =	vst.msk $0xffff, v11;
	v11 =	vcombine.low v4, v2  }
0x5e: {  	v2 =	vcombine.high v4, v2;
	v4 =	vperm.xlane.i2c.b16 v6;
	v13 =	vld [tilespmem:s17+$0x270];
	[tilespmem:s18+$0x1021 ss:$0x81] =	vst.msk $0xffff, v7  }
0x5f: {  	v7 =	vcombine.low v5, v3;
	v6 =	vld [tilespmem:s17+$0x0];
	[tilespmem:s18+$0x1830 ss:$0x81] =	vst.msk $0xffff, v11;
	v9 =	vperm.xlane.i2c.b16 v9  }
0x60: {  	v11 =	vld [tilespmem:s17+$0x10];
	[tilespmem:s18+$0x1831 ss:$0x81] =	vst.msk $0xffff, v2;
	v2 =	vcombine.high v5, v3;
	v3 =	vperm.xlane.i2c.b16 v12  }
0x61: {  	v5 =	vld [tilespmem:s17+$0x20];
	[tilespmem:s18+$0x2040 ss:$0x81] =	vst.msk $0xffff, v7;
	v7 =	vcombine.low v4, v9;
	v8 =	vperm.xlane.i2c.b16 v8  }
0x62: {  	v12 =	vld [tilespmem:s17+$0x30];
	[tilespmem:s18+$0x2041 ss:$0x81] =	vst.msk $0xffff, v2;
	v2 =	vcombine.high v4, v9;
	v9 =	vcombine.high v0, v1;
	v0 =	vmov v3  }
0x63: {  	v10 =	vperm.xlane.i2c.b16 v10;
	v3 =	vld [tilespmem:s17+$0x40];
	v13 =	vperm.xlane.i2c.b16 v13;
	[tilespmem:s18+$0x2850 ss:$0x81] =	vst.msk $0xffff, v7;
	v1 =	vmov v8  }
0x64: {  	v6 =	vperm.xlane.i2c.b16 v6;
	v14 =	vld [tilespmem:s17+$0x50];
	[tilespmem:s18+$0x2851 ss:$0x81] =	vst.msk $0xffff, v2;
	v8 =	vcombine.low v0, v1  }
.Ltmp3:
0x65: {  	v11 =	vperm.xlane.i2c.b16 v11;
	v4 =	vld [tilespmem:s17+$0x60];
	v15 =	vcombine.low v10, v13;
	[tilespmem:s15+$0x3061 ss:$0x81] =	vst.msk $0xffff, v9;
	s15 =	smov.u32 s18;
	(pc) =	sbr.rel @p1 .LBB1_3-.Ltmp3, $4  }
0x66: {  	v10 =	vcombine.high v10, v13;
	s18 =	sadd.s32 $0x2, s18;
	v7 =	vperm.xlane.i2c.b16 v5;
	v2 =	vld [tilespmem:s17+$0x70];
	[tilespmem:s15+$0x3060 ss:$0x81] =	vst.msk $0xffff, v8  }
0x67: {  	v13 =	vcombine.low v6, v11;
	v9 =	vperm.xlane.i2c.b16 v12;
	v5 =	vld [tilespmem:s17+$0x200];
	[tilespmem:s18+$0x3870 ss:$0x81] =	vst.msk $0xffff, v15  }
0x68: {  	v11 =	vcombine.high v6, v11;
	v8 =	vperm.xlane.i2c.b16 v3;
	v3 =	vld [tilespmem:s17+$0x210];
	[tilespmem:s18+$0x3871 ss:$0x81] =	vst.msk $0xffff, v10  }
0x69: {  	s22 =	sadd.s32 $0x100, s22;
	[tilespmem:s18+$0x0 ss:$0x81] =	vst.msk $0xffff, v13;
	v12 =	vcombine.low v7, v9;
	v10 =	vperm.xlane.i2c.b16 v14;
	v6 =	vld [tilespmem:s17+$0x220]  }
.Ltmp4:
0x6a: {  	_ = 	snop;
	(pc) =	sbr.rel .LBB1_4-.Ltmp4, $1  }
0x6b: {  	_ =	sdelay $0x3  }
.LBB1_6:
0x6c: {  	_ =	sfence.sel $0x180000  }
0x6d: {  	s2 =	simm.s32 $0x1;
	[bflag:$0x0] =	sbarrier.arrive $0xFFFF  }
0x6e: {  	s31 =	simm.s32 $0x2;
	[sflag:s2] =	ssyncpa.u1 $0x1  }
0x6f: {  	[sflag:s31] =	ssyncpa.u1 $0x1  }
0x70: {  	p0 =	sne.s32 s0, $0x0;
	_ =	strace $0x90000047  }
0x71: {  	s0 =	sadd.s32 @!p0 $0x100000, s1;
	[bflag:$0x2] =	sbarrier.arrive $0xFFFF  }
0x72: {  	[sflag:s0] =	ssyncadd.tile.s32 @!p0 $0x1;
	_ =	shalt  }
.Lfunc_end1:
_tile_overlayer_lowered:
.L_overlay_start_2:
0x73: {  	(tag) =	ssettag $0x2  }
0x74: {  	s0 =	rddreg [dreg:$0x0];
	s2 =	stileid.u32  }
0x75: {  	s1 =	rddreg [dreg:$0x1];
	p0 =	sne.s32 s2, $0x0  }
0x76: {  	s3 =	rddreg [dreg:$0x2];
	[bflag:$0x3] =	sbarrier.arrive $0xFFFF;
	s2 =	simm.s32 @!p0 $0x1C01  }
0x77: {  	[timem:s3], [sflag:s2] =	dma.local @!p0 [hbm:s0], s1  }
0x78: {  	s0 =	simm.s32 @!p0 $0x1  }
0x79: {  	_ =	swait.ge @!p0 [sflag:s0], s1  }
0x7a: {  	s1 =	ssub.s32 @!p0 $0x0, s1;
	[sflag:s0] =	ssyncset.done @!p0 $0x0  }
0x7b: {  	[sflag:s0] =	ssyncadd.s32 @!p0 s1  }
0x7c: {  	[bflag:$0x3] =	sbarrier.arrive $0xFFFF  }
0x7d: {  	_ =	shalt  }

</sc_bundles>
